<compile_context>
chip_gen: v7x
topology: tpu7x:2x2x1
jax: 0.10.2.dev20260603
libtpu: 0.0.44.dev20260713+nightly
codegen_flags: <defaults>
</compile_context>

<pallas_src>
import functools
import math

import jax
import jax.numpy as jnp
from jax import lax
from jax.experimental import pallas as pl
from jax.experimental.pallas import tpu as pltpu
from jax.experimental.pallas import tpu_sc as plsc

BSZ, NODES, EDGES, D = 8, 512, 2048, 512
DH = D // 2
N_TOTAL = BSZ * NODES
E_TOTAL = BSZ * EDGES
E_HALF = E_TOTAL // 2
G_HALF = 2 * E_HALF

_PROJ_BLK = 512


def _pack_halves(acc):
    lo = pltpu.bitcast(acc[:, :DH].astype(jnp.bfloat16), jnp.uint16)
    hi = pltpu.bitcast(acc[:, DH:].astype(jnp.bfloat16), jnp.uint16)
    word = (hi.astype(jnp.uint32) << 16) | lo.astype(jnp.uint32)
    return pltpu.bitcast(word, jnp.int32)


def _unpack_halves(word):
    wu = pltpu.bitcast(word, jnp.uint32)
    lo = pltpu.bitcast((wu & 0xFFFF).astype(jnp.uint16), jnp.bfloat16)
    hi = pltpu.bitcast((wu >> 16).astype(jnp.uint16), jnp.bfloat16)
    return lo.astype(jnp.float32), hi.astype(jnp.float32)


def _proj_body(x_ref, w_ref, out_ref):
    acc = jnp.dot(x_ref[...], w_ref[...], preferred_element_type=jnp.float32)
    out_ref[...] = _pack_halves(acc)


def _project_nodes(x, w1):
    nblk = N_TOTAL // _PROJ_BLK
    return pl.pallas_call(
        _proj_body,
        grid=(2 * nblk,),
        in_specs=[
            pl.BlockSpec((_PROJ_BLK, D), lambda j: (j % nblk, 0)),
            pl.BlockSpec((D, D), lambda j: (2 * (j // nblk), 0)),
        ],
        out_specs=pl.BlockSpec((_PROJ_BLK, DH), lambda j: (j, 0)),
        out_shape=jax.ShapeDtypeStruct((2 * N_TOTAL, DH), jnp.int32),
    )(x, w1)


_NC, _NS = 2, 16
_NW = _NC * _NS
_PER_TILE = G_HALF // _NW
_CHUNK = 128
_NCHUNK = _PER_TILE // _CHUNK


@functools.cache
def _sc_gather_kernel():
    mesh = plsc.VectorSubcoreMesh(core_axis_name="c", subcore_axis_name="s",
                                  num_cores=_NC, num_subcores=_NS)

    @functools.partial(
        pl.kernel,
        out_type=jax.ShapeDtypeStruct((G_HALF, DH), jnp.int32),
        mesh=mesh,
        scratch_types=[
            pltpu.VMEM((_PER_TILE,), jnp.int32),
            pltpu.VMEM((_CHUNK, DH), jnp.int32),
            pltpu.VMEM((_CHUNK, DH), jnp.int32),
            pltpu.SemaphoreType.DMA,
            pltpu.SemaphoreType.DMA,
        ],
    )
    def body(tbl_hbm, idx_hbm, out_hbm, idx_v, buf0, buf1, gsem, wsem):
        wid = lax.axis_index("s") * _NC + lax.axis_index("c")
        base = wid * _PER_TILE
        bufs = (buf0, buf1)
        pltpu.sync_copy(idx_hbm.at[pl.ds(base, _PER_TILE)], idx_v)
        gcp = {0: pltpu.async_copy(
            tbl_hbm.at[idx_v.at[pl.ds(0, _CHUNK)]], buf0, gsem)}
        wb = {}
        for c in range(_NCHUNK):
            if c + 1 < _NCHUNK:
                if c >= 1:
                    wb[c - 1].wait()
                gcp[c + 1] = pltpu.async_copy(
                    tbl_hbm.at[idx_v.at[pl.ds((c + 1) * _CHUNK, _CHUNK)]],
                    bufs[(c + 1) % 2], gsem)
            gcp[c].wait()
            wb[c] = pltpu.async_copy(
                bufs[c % 2], out_hbm.at[pl.ds(base + c * _CHUNK, _CHUNK)],
                wsem)
        wb[_NCHUNK - 2].wait()
        wb[_NCHUNK - 1].wait()

    return body


def _sc_gather(tbl, idx):
    return _sc_gather_kernel()(tbl, idx)


_MLP_BLK = 1024
_HBLK = E_HALF // _MLP_BLK
_INV_SQRT2 = 1.0 / math.sqrt(2.0)


def _mlp_math(gh, gt, r, w1r, b1, gamma, beta, w2, b2):
    m = jnp.dot(r, w1r, preferred_element_type=jnp.float32)
    hl, hh = _unpack_halves(gh)
    tl, th = _unpack_halves(gt)
    h1 = m + jnp.concatenate([hl + tl, hh + th], axis=1) + b1
    mu = jnp.mean(h1, axis=-1, keepdims=True)
    var = jnp.mean((h1 - mu) ** 2, axis=-1, keepdims=True)
    h1n = (h1 - mu) * lax.rsqrt(var + 1e-5) * gamma + beta
    h1a = h1n * 0.5 * (1.0 + lax.erf(h1n * _INV_SQRT2))
    return jnp.dot(h1a, w2, preferred_element_type=jnp.float32) + b2


def _mlp_body0(g_ref, r_ref, w1r_ref, b1_ref, gamma_ref, beta_ref,
               w2_ref, b2_ref, out_ref):
    out_ref[...] = _mlp_math(
        g_ref[0], g_ref[1], r_ref[...], w1r_ref[...], b1_ref[...],
        gamma_ref[...], beta_ref[...], w2_ref[...], b2_ref[...])


def _mlp_body1(prev_ref, g_ref, r_ref, w1r_ref, b1_ref, gamma_ref, beta_ref,
               w2_ref, b2_ref, out_ref):
    out_ref[...] = _mlp_math(
        g_ref[0], g_ref[1], r_ref[...], w1r_ref[...], b1_ref[...],
        gamma_ref[...], beta_ref[...], w2_ref[...], b2_ref[...])


def _mlp_half(g, edge_rep, w1, b1, gamma, beta, w2, b2, half, prev=None):
    vec = pl.BlockSpec((1, D), lambda j: (0, 0))
    gspec = pl.BlockSpec((2, _MLP_BLK, DH), lambda j: (0, j, 0))
    rspec = pl.BlockSpec((_MLP_BLK, D),
                         lambda j: (j + half * _HBLK, 0))
    out_spec = pl.BlockSpec((_MLP_BLK, D), lambda j: (j + half * _HBLK, 0))
    specs = [
        gspec, rspec,
        pl.BlockSpec((D, D), lambda j: (1, 0)),
        vec, vec, vec,
        pl.BlockSpec((D, D), lambda j: (0, 0)),
        vec,
    ]
    args = [g, edge_rep, w1, b1.reshape(1, D), gamma.reshape(1, D),
            beta.reshape(1, D), w2, b2.reshape(1, D)]
    if half == 0:
        body, alias = _mlp_body0, {}
    else:
        body, alias = _mlp_body1, {0: 0}
        specs = [pl.BlockSpec(memory_space=pl.ANY)] + specs
        args = [prev] + args
    return pl.pallas_call(
        body,
        grid=(_HBLK,),
        in_specs=specs,
        out_specs=out_spec,
        out_shape=jax.ShapeDtypeStruct((E_TOTAL, D), jnp.float32),
        input_output_aliases=alias,
    )(*args)


def kernel(x, batch, edge_index, edge_rep, num_edges, ptr, W1, b1, gamma,
           beta, W2, b2):
    tbl = _project_nodes(x, W1)
    src, dst = edge_index[0], edge_index[1] + N_TOTAL
    idx_a = jnp.concatenate([src[:E_HALF], dst[:E_HALF]])
    idx_b = jnp.concatenate([src[E_HALF:], dst[E_HALF:]])
    ga = _sc_gather(tbl, idx_a).reshape(2, E_HALF, DH)
    gb = _sc_gather(tbl, idx_b).reshape(2, E_HALF, DH)
    out = _mlp_half(ga, edge_rep, W1, b1, gamma, beta, W2, b2, 0)
    out = _mlp_half(gb, edge_rep, W1, b1, gamma, beta, W2, b2, 1, prev=out)
    mask = jnp.ones((BSZ, EDGES), dtype=jnp.float32)
    return out.reshape(BSZ, EDGES, D), mask

# --- scband reference (transcript-rebuilt; emitter-appended) ---
"""Pipeline reference for scband-kg-adapter-trips-encoder-71442486002186 (READ-ONLY COPY).

The authoritative reference and input builder live on the scoring server;
editing this copy changes nothing except your own understanding.
"""

import jax, jax.numpy as jnp
import numpy as np

BSZ, NODES, EDGES, D = 8, 512, 2048, 512


def setup_inputs(seed: int = 0) -> dict:
    key = jax.random.key(seed)
    ks = jax.random.split(key, 10)
    x = jax.random.normal(ks[0], (BSZ * NODES, D), dtype=jnp.float32)
    batch = jnp.repeat(jnp.arange(BSZ, dtype=jnp.int32), NODES)
    local = jax.random.randint(ks[1], (2, BSZ * EDGES), 0, NODES)
    offs = jnp.repeat(jnp.arange(BSZ, dtype=jnp.int32) * NODES, EDGES)
    edge_index = local + offs[None, :]
    edge_rep = jax.random.normal(ks[2], (BSZ * EDGES, D), dtype=jnp.float32)
    num_edges = jnp.full((BSZ,), EDGES, dtype=jnp.int32)
    ptr = jnp.arange(BSZ + 1, dtype=jnp.int32) * NODES
    s1 = 1.0 / np.sqrt(3 * D)
    s2 = 1.0 / np.sqrt(D)
    W1 = jax.random.uniform(ks[3], (3 * D, D), jnp.float32, -s1, s1)
    b1 = jax.random.uniform(ks[4], (D,), jnp.float32, -s1, s1)
    gamma = jnp.ones((D,), jnp.float32)
    beta = jnp.zeros((D,), jnp.float32)
    W2 = jax.random.uniform(ks[5], (D, D), jnp.float32, -s2, s2)
    b2 = jax.random.uniform(ks[6], (D,), jnp.float32, -s2, s2)
    return {"x": x, "batch": batch, "edge_index": edge_index, "edge_rep": edge_rep,
            "num_edges": num_edges, "ptr": ptr,
            "W1": W1, "b1": b1, "gamma": gamma, "beta": beta, "W2": W2, "b2": b2}


def reference(x, batch, edge_index, edge_rep, num_edges, ptr, W1, b1, gamma, beta, W2, b2):
    # to_dense_batch(sg.x, sg.batch): equal-sized graphs -> plain reshape
    node_reps = x.reshape(BSZ, NODES, D)
    # unbatch_edge_index: edges are grouped per graph; subtract node offset
    e = edge_index.reshape(2, BSZ, EDGES)
    offs = (jnp.arange(BSZ, dtype=e.dtype) * NODES)[None, :, None]
    local_e = e - offs
    src = local_e[0]  # [BSZ, EDGES]
    dst = local_e[1]
    h_rep = jnp.take_along_axis(node_reps, src[..., None], axis=1)  # [BSZ, EDGES, D]
    t_rep = jnp.take_along_axis(node_reps, dst[..., None], axis=1)
    r_rep = edge_rep.reshape(BSZ, EDGES, D)
    trip_reps = jnp.concatenate([h_rep, r_rep, t_rep], axis=-1)  # [BSZ, EDGES, 3D]
    # all graphs have max_trip_num edges -> mask is all ones, no pad rows
    batch_trip_mask = jnp.ones((BSZ, EDGES), dtype=jnp.float32)
    # mlp: Linear(3D, D) -> LayerNorm(D) -> GELU -> Linear(D, D)
    h1 = trip_reps @ W1 + b1
    mu = jnp.mean(h1, axis=-1, keepdims=True)
    var = jnp.var(h1, axis=-1, keepdims=True)
    h1n = (h1 - mu) / jnp.sqrt(var + 1e-5) * gamma + beta
    h1a = jax.nn.gelu(h1n, approximate=False)
    out = h1a @ W2 + b2
    return out, batch_trip_mask

if __name__ == "__main__":
    import jax
    _d = setup_inputs()
    print(jax.jit(kernel)(*tuple(_d.values())))

</pallas_src>

<mosaic_0001>
#map = affine_map<(d0, d1) -> (0, 0)>
#map1 = affine_map<(d0, d1) -> (0)>
module attributes {stable_mosaic.version = 14 : i64} {
  func.func @body(%arg0: i32, %arg1: i32, %arg2: memref<8192x256xi32, #tpu.memory_space<hbm>>, %arg3: memref<16384xi32, #tpu.memory_space<hbm>>, %arg4: memref<16384x256xi32, #tpu.memory_space<hbm>>, %arg5: memref<512xi32, #tpu.memory_space<vmem>>, %arg6: memref<128x256xi32, #tpu.memory_space<vmem>>, %arg7: memref<128x256xi32, #tpu.memory_space<vmem>>, %arg8: memref<!tpu.dma_semaphore, #tpu.memory_space<semaphore_mem>>, %arg9: memref<!tpu.dma_semaphore, #tpu.memory_space<semaphore_mem>>) attributes {dimension_semantics = [#tpu.dimension_semantics<core_parallel>, #tpu.dimension_semantics<subcore_parallel>], iteration_bounds = array<i64: 2, 16>, scalar_prefetch = 0 : i64, scratch_operands = 5 : i64, tpu.core_type = #tpu.core_type<sc_vector_subcore>, window_params = [{transform_indices = #map}, {transform_indices = #map1}, {transform_indices = #map}]} {
    %mul3A = arith.constant 2 : i32
    %mul3A_0 = arith.muli %arg1, %mul3A : i32
    %add3A = arith.addi %mul3A_0, %arg0 : i32
    %mul3A_1 = arith.constant 512 : i32
    %mul3A_2 = arith.muli %add3A, %mul3A_1 : i32
    "tpu.region"() ({
      %run_scoped3A = tpu.sem_alloc : memref<!tpu.dma_semaphore, #tpu.memory_space<semaphore_mem>>
      %dma_start3A_81 = tpu.memref_slice %arg3[%mul3A_2] : memref<16384xi32, #tpu.memory_space<hbm>> -> memref<512xi32, #tpu.memory_space<hbm>>
      %dma_start3A_82 = tpu.memref_slice %arg3[%mul3A_2] : memref<16384xi32, #tpu.memory_space<hbm>> -> memref<512xi32, #tpu.memory_space<hbm>>
      tpu.enqueue_dma source(%dma_start3A_82 : memref<512xi32, #tpu.memory_space<hbm>>) target(%arg5 : memref<512xi32, #tpu.memory_space<vmem>>) target_semaphore(%run_scoped3A : memref<!tpu.dma_semaphore, #tpu.memory_space<semaphore_mem>>)
      %dma_wait3A_83 = tpu.memref_slice %arg3[%mul3A_2] : memref<16384xi32, #tpu.memory_space<hbm>> -> memref<512xi32, #tpu.memory_space<hbm>>
      %dma_wait3A_84 = tpu.memref_slice %arg3[%mul3A_2] : memref<16384xi32, #tpu.memory_space<hbm>> -> memref<512xi32, #tpu.memory_space<hbm>>
      tpu.wait_dma2 semaphore(%run_scoped3A : memref<!tpu.dma_semaphore, #tpu.memory_space<semaphore_mem>>) src(%dma_wait3A_84 : memref<512xi32, #tpu.memory_space<hbm>>) dst(%arg5 : memref<512xi32, #tpu.memory_space<vmem>>)
      tpu.yield
    }) : () -> ()
    %dma_start3A = arith.constant 0 : i32
    %dma_start3A_3 = tpu.memref_slice %arg5[%dma_start3A] : memref<512xi32, #tpu.memory_space<vmem>> -> memref<128xi32, #tpu.memory_space<vmem>>
    %dma_start3A_4 = arith.constant 0 : i32
    %dma_start3A_5 = arith.constant 0 : i32
    %dma_start3A_6 = tpu.memref_slice %arg2[%dma_start3A_4, %dma_start3A_5] : memref<8192x256xi32, #tpu.memory_space<hbm>> -> memref<8192x256xi32, #tpu.memory_space<hbm>>
    tpu.enqueue_indirect_dma source(%dma_start3A_6 : memref<8192x256xi32, #tpu.memory_space<hbm>>) target(%arg6 : memref<128x256xi32, #tpu.memory_space<vmem>>) offsets(%dma_start3A_3 : memref<128xi32, #tpu.memory_space<vmem>>) semaphore(%arg8 : memref<!tpu.dma_semaphore, #tpu.memory_space<semaphore_mem>>)
    %dma_start3A_7 = arith.constant 128 : i32
    %dma_start3A_8 = tpu.memref_slice %arg5[%dma_start3A_7] : memref<512xi32, #tpu.memory_space<vmem>> -> memref<128xi32, #tpu.memory_space<vmem>>
    %dma_start3A_9 = arith.constant 0 : i32
    %dma_start3A_10 = arith.constant 0 : i32
    %dma_start3A_11 = tpu.memref_slice %arg2[%dma_start3A_9, %dma_start3A_10] : memref<8192x256xi32, #tpu.memory_space<hbm>> -> memref<8192x256xi32, #tpu.memory_space<hbm>>
    tpu.enqueue_indirect_dma source(%dma_start3A_11 : memref<8192x256xi32, #tpu.memory_space<hbm>>) target(%arg7 : memref<128x256xi32, #tpu.memory_space<vmem>>) offsets(%dma_start3A_8 : memref<128xi32, #tpu.memory_space<vmem>>) semaphore(%arg8 : memref<!tpu.dma_semaphore, #tpu.memory_space<semaphore_mem>>)
    %dma_wait3A = arith.constant 0 : i32
    %dma_wait3A_12 = tpu.memref_slice %arg5[%dma_wait3A] : memref<512xi32, #tpu.memory_space<vmem>> -> memref<128xi32, #tpu.memory_space<vmem>>
    %dma_wait3A_13 = arith.constant 0 : i32
    %dma_wait3A_14 = arith.constant 0 : i32
    %dma_wait3A_15 = tpu.memref_slice %arg2[%dma_wait3A_13, %dma_wait3A_14] : memref<8192x256xi32, #tpu.memory_space<hbm>> -> memref<8192x256xi32, #tpu.memory_space<hbm>>
    tpu.wait_indirect_dma semaphore(%arg8 : memref<!tpu.dma_semaphore, #tpu.memory_space<semaphore_mem>>) src(%dma_wait3A_15 : memref<8192x256xi32, #tpu.memory_space<hbm>>) dst(%arg6 : memref<128x256xi32, #tpu.memory_space<vmem>>)
    %add3A_16 = arith.constant 0 : i32
    %add3A_17 = arith.addi %mul3A_2, %add3A_16 : i32
    %dma_start3A_18 = arith.constant 0 : i32
    %dma_start3A_19 = tpu.memref_slice %arg4[%add3A_17, %dma_start3A_18] : memref<16384x256xi32, #tpu.memory_space<hbm>> -> memref<128x256xi32, #tpu.memory_space<hbm>>
    %dma_start3A_20 = arith.constant 0 : i32
    %dma_start3A_21 = tpu.memref_slice %arg4[%add3A_17, %dma_start3A_20] : memref<16384x256xi32, #tpu.memory_space<hbm>> -> memref<128x256xi32, #tpu.memory_space<hbm>>
    tpu.enqueue_dma source(%arg6 : memref<128x256xi32, #tpu.memory_space<vmem>>) target(%dma_start3A_21 : memref<128x256xi32, #tpu.memory_space<hbm>>) target_semaphore(%arg9 : memref<!tpu.dma_semaphore, #tpu.memory_space<semaphore_mem>>)
    %dma_wait3A_22 = arith.constant 0 : i32
    %dma_wait3A_23 = tpu.memref_slice %arg4[%add3A_17, %dma_wait3A_22] : memref<16384x256xi32, #tpu.memory_space<hbm>> -> memref<128x256xi32, #tpu.memory_space<hbm>>
    %dma_wait3A_24 = arith.constant 0 : i32
    %dma_wait3A_25 = tpu.memref_slice %arg4[%add3A_17, %dma_wait3A_24] : memref<16384x256xi32, #tpu.memory_space<hbm>> -> memref<128x256xi32, #tpu.memory_space<hbm>>
    tpu.wait_dma2 semaphore(%arg9 : memref<!tpu.dma_semaphore, #tpu.memory_space<semaphore_mem>>) src(%arg6 : memref<128x256xi32, #tpu.memory_space<vmem>>) dst(%dma_wait3A_25 : memref<128x256xi32, #tpu.memory_space<hbm>>)
    %dma_start3A_26 = arith.constant 256 : i32
    %dma_start3A_27 = tpu.memref_slice %arg5[%dma_start3A_26] : memref<512xi32, #tpu.memory_space<vmem>> -> memref<128xi32, #tpu.memory_space<vmem>>
    %dma_start3A_28 = arith.constant 0 : i32
    %dma_start3A_29 = arith.constant 0 : i32
    %dma_start3A_30 = tpu.memref_slice %arg2[%dma_start3A_28, %dma_start3A_29] : memref<8192x256xi32, #tpu.memory_space<hbm>> -> memref<8192x256xi32, #tpu.memory_space<hbm>>
    tpu.enqueue_indirect_dma source(%dma_start3A_30 : memref<8192x256xi32, #tpu.memory_space<hbm>>) target(%arg6 : memref<128x256xi32, #tpu.memory_space<vmem>>) offsets(%dma_start3A_27 : memref<128xi32, #tpu.memory_space<vmem>>) semaphore(%arg8 : memref<!tpu.dma_semaphore, #tpu.memory_space<semaphore_mem>>)
    %dma_wait3A_31 = arith.constant 128 : i32
    %dma_wait3A_32 = tpu.memref_slice %arg5[%dma_wait3A_31] : memref<512xi32, #tpu.memory_space<vmem>> -> memref<128xi32, #tpu.memory_space<vmem>>
    %dma_wait3A_33 = arith.constant 0 : i32
    %dma_wait3A_34 = arith.constant 0 : i32
    %dma_wait3A_35 = tpu.memref_slice %arg2[%dma_wait3A_33, %dma_wait3A_34] : memref<8192x256xi32, #tpu.memory_space<hbm>> -> memref<8192x256xi32, #tpu.memory_space<hbm>>
    tpu.wait_indirect_dma semaphore(%arg8 : memref<!tpu.dma_semaphore, #tpu.memory_space<semaphore_mem>>) src(%dma_wait3A_35 : memref<8192x256xi32, #tpu.memory_space<hbm>>) dst(%arg7 : memref<128x256xi32, #tpu.memory_space<vmem>>)
    %add3A_36 = arith.constant 128 : i32
    %add3A_37 = arith.addi %mul3A_2, %add3A_36 : i32
    %dma_start3A_38 = arith.constant 0 : i32
    %dma_start3A_39 = tpu.memref_slice %arg4[%add3A_37, %dma_start3A_38] : memref<16384x256xi32, #tpu.memory_space<hbm>> -> memref<128x256xi32, #tpu.memory_space<hbm>>
    %dma_start3A_40 = arith.constant 0 : i32
    %dma_start3A_41 = tpu.memref_slice %arg4[%add3A_37, %dma_start3A_40] : memref<16384x256xi32, #tpu.memory_space<hbm>> -> memref<128x256xi32, #tpu.memory_space<hbm>>
    tpu.enqueue_dma source(%arg7 : memref<128x256xi32, #tpu.memory_space<vmem>>) target(%dma_start3A_41 : memref<128x256xi32, #tpu.memory_space<hbm>>) target_semaphore(%arg9 : memref<!tpu.dma_semaphore, #tpu.memory_space<semaphore_mem>>)
    %dma_wait3A_42 = arith.constant 0 : i32
    %dma_wait3A_43 = tpu.memref_slice %arg4[%add3A_37, %dma_wait3A_42] : memref<16384x256xi32, #tpu.memory_space<hbm>> -> memref<128x256xi32, #tpu.memory_space<hbm>>
    %dma_wait3A_44 = arith.constant 0 : i32
    %dma_wait3A_45 = tpu.memref_slice %arg4[%add3A_37, %dma_wait3A_44] : memref<16384x256xi32, #tpu.memory_space<hbm>> -> memref<128x256xi32, #tpu.memory_space<hbm>>
    tpu.wait_dma2 semaphore(%arg9 : memref<!tpu.dma_semaphore, #tpu.memory_space<semaphore_mem>>) src(%arg7 : memref<128x256xi32, #tpu.memory_space<vmem>>) dst(%dma_wait3A_45 : memref<128x256xi32, #tpu.memory_space<hbm>>)
    %dma_start3A_46 = arith.constant 384 : i32
    %dma_start3A_47 = tpu.memref_slice %arg5[%dma_start3A_46] : memref<512xi32, #tpu.memory_space<vmem>> -> memref<128xi32, #tpu.memory_space<vmem>>
    %dma_start3A_48 = arith.constant 0 : i32
    %dma_start3A_49 = arith.constant 0 : i32
    %dma_start3A_50 = tpu.memref_slice %arg2[%dma_start3A_48, %dma_start3A_49] : memref<8192x256xi32, #tpu.memory_space<hbm>> -> memref<8192x256xi32, #tpu.memory_space<hbm>>
    tpu.enqueue_indirect_dma source(%dma_start3A_50 : memref<8192x256xi32, #tpu.memory_space<hbm>>) target(%arg7 : memref<128x256xi32, #tpu.memory_space<vmem>>) offsets(%dma_start3A_47 : memref<128xi32, #tpu.memory_space<vmem>>) semaphore(%arg8 : memref<!tpu.dma_semaphore, #tpu.memory_space<semaphore_mem>>)
    %dma_wait3A_51 = arith.constant 256 : i32
    %dma_wait3A_52 = tpu.memref_slice %arg5[%dma_wait3A_51] : memref<512xi32, #tpu.memory_space<vmem>> -> memref<128xi32, #tpu.memory_space<vmem>>
    %dma_wait3A_53 = arith.constant 0 : i32
    %dma_wait3A_54 = arith.constant 0 : i32
    %dma_wait3A_55 = tpu.memref_slice %arg2[%dma_wait3A_53, %dma_wait3A_54] : memref<8192x256xi32, #tpu.memory_space<hbm>> -> memref<8192x256xi32, #tpu.memory_space<hbm>>
    tpu.wait_indirect_dma semaphore(%arg8 : memref<!tpu.dma_semaphore, #tpu.memory_space<semaphore_mem>>) src(%dma_wait3A_55 : memref<8192x256xi32, #tpu.memory_space<hbm>>) dst(%arg6 : memref<128x256xi32, #tpu.memory_space<vmem>>)
    %add3A_56 = arith.constant 256 : i32
    %add3A_57 = arith.addi %mul3A_2, %add3A_56 : i32
    %dma_start3A_58 = arith.constant 0 : i32
    %dma_start3A_59 = tpu.memref_slice %arg4[%add3A_57, %dma_start3A_58] : memref<16384x256xi32, #tpu.memory_space<hbm>> -> memref<128x256xi32, #tpu.memory_space<hbm>>
    %dma_start3A_60 = arith.constant 0 : i32
    %dma_start3A_61 = tpu.memref_slice %arg4[%add3A_57, %dma_start3A_60] : memref<16384x256xi32, #tpu.memory_space<hbm>> -> memref<128x256xi32, #tpu.memory_space<hbm>>
    tpu.enqueue_dma source(%arg6 : memref<128x256xi32, #tpu.memory_space<vmem>>) target(%dma_start3A_61 : memref<128x256xi32, #tpu.memory_space<hbm>>) target_semaphore(%arg9 : memref<!tpu.dma_semaphore, #tpu.memory_space<semaphore_mem>>)
    %dma_wait3A_62 = arith.constant 384 : i32
    %dma_wait3A_63 = tpu.memref_slice %arg5[%dma_wait3A_62] : memref<512xi32, #tpu.memory_space<vmem>> -> memref<128xi32, #tpu.memory_space<vmem>>
    %dma_wait3A_64 = arith.constant 0 : i32
    %dma_wait3A_65 = arith.constant 0 : i32
    %dma_wait3A_66 = tpu.memref_slice %arg2[%dma_wait3A_64, %dma_wait3A_65] : memref<8192x256xi32, #tpu.memory_space<hbm>> -> memref<8192x256xi32, #tpu.memory_space<hbm>>
    tpu.wait_indirect_dma semaphore(%arg8 : memref<!tpu.dma_semaphore, #tpu.memory_space<semaphore_mem>>) src(%dma_wait3A_66 : memref<8192x256xi32, #tpu.memory_space<hbm>>) dst(%arg7 : memref<128x256xi32, #tpu.memory_space<vmem>>)
    %add3A_67 = arith.constant 384 : i32
    %add3A_68 = arith.addi %mul3A_2, %add3A_67 : i32
    %dma_start3A_69 = arith.constant 0 : i32
    %dma_start3A_70 = tpu.memref_slice %arg4[%add3A_68, %dma_start3A_69] : memref<16384x256xi32, #tpu.memory_space<hbm>> -> memref<128x256xi32, #tpu.memory_space<hbm>>
    %dma_start3A_71 = arith.constant 0 : i32
    %dma_start3A_72 = tpu.memref_slice %arg4[%add3A_68, %dma_start3A_71] : memref<16384x256xi32, #tpu.memory_space<hbm>> -> memref<128x256xi32, #tpu.memory_space<hbm>>
    tpu.enqueue_dma source(%arg7 : memref<128x256xi32, #tpu.memory_space<vmem>>) target(%dma_start3A_72 : memref<128x256xi32, #tpu.memory_space<hbm>>) target_semaphore(%arg9 : memref<!tpu.dma_semaphore, #tpu.memory_space<semaphore_mem>>)
    %dma_wait3A_73 = arith.constant 0 : i32
    %dma_wait3A_74 = tpu.memref_slice %arg4[%add3A_57, %dma_wait3A_73] : memref<16384x256xi32, #tpu.memory_space<hbm>> -> memref<128x256xi32, #tpu.memory_space<hbm>>
    %dma_wait3A_75 = arith.constant 0 : i32
    %dma_wait3A_76 = tpu.memref_slice %arg4[%add3A_57, %dma_wait3A_75] : memref<16384x256xi32, #tpu.memory_space<hbm>> -> memref<128x256xi32, #tpu.memory_space<hbm>>
    tpu.wait_dma2 semaphore(%arg9 : memref<!tpu.dma_semaphore, #tpu.memory_space<semaphore_mem>>) src(%arg6 : memref<128x256xi32, #tpu.memory_space<vmem>>) dst(%dma_wait3A_76 : memref<128x256xi32, #tpu.memory_space<hbm>>)
    %dma_wait3A_77 = arith.constant 0 : i32
    %dma_wait3A_78 = tpu.memref_slice %arg4[%add3A_68, %dma_wait3A_77] : memref<16384x256xi32, #tpu.memory_space<hbm>> -> memref<128x256xi32, #tpu.memory_space<hbm>>
    %dma_wait3A_79 = arith.constant 0 : i32
    %dma_wait3A_80 = tpu.memref_slice %arg4[%add3A_68, %dma_wait3A_79] : memref<16384x256xi32, #tpu.memory_space<hbm>> -> memref<128x256xi32, #tpu.memory_space<hbm>>
    tpu.wait_dma2 semaphore(%arg9 : memref<!tpu.dma_semaphore, #tpu.memory_space<semaphore_mem>>) src(%arg7 : memref<128x256xi32, #tpu.memory_space<vmem>>) dst(%dma_wait3A_80 : memref<128x256xi32, #tpu.memory_space<hbm>>)
    return
  }
}

#map = affine_map<(d0, d1) -> (0, 0)>
#map1 = affine_map<(d0, d1) -> (0)>
module attributes {stable_mosaic.version = 14 : i64} {
  func.func @body(%arg0: i32, %arg1: i32, %arg2: memref<8192x256xi32, #tpu.memory_space<hbm>>, %arg3: memref<16384xi32, #tpu.memory_space<hbm>>, %arg4: memref<16384x256xi32, #tpu.memory_space<hbm>>, %arg5: memref<512xi32, #tpu.memory_space<vmem>>, %arg6: memref<128x256xi32, #tpu.memory_space<vmem>>, %arg7: memref<128x256xi32, #tpu.memory_space<vmem>>, %arg8: memref<!tpu.dma_semaphore, #tpu.memory_space<semaphore_mem>>, %arg9: memref<!tpu.dma_semaphore, #tpu.memory_space<semaphore_mem>>) attributes {dimension_semantics = [#tpu.dimension_semantics<core_parallel>, #tpu.dimension_semantics<subcore_parallel>], iteration_bounds = array<i64: 2, 16>, scalar_prefetch = 0 : i64, scratch_operands = 5 : i64, tpu.core_type = #tpu.core_type<sc_vector_subcore>, window_params = [{transform_indices = #map}, {transform_indices = #map1}, {transform_indices = #map}]} {
    %mul3A = arith.constant 2 : i32
    %mul3A_0 = arith.muli %arg1, %mul3A : i32
    %add3A = arith.addi %mul3A_0, %arg0 : i32
    %mul3A_1 = arith.constant 512 : i32
    %mul3A_2 = arith.muli %add3A, %mul3A_1 : i32
    "tpu.region"() ({
      %run_scoped3A = tpu.sem_alloc : memref<!tpu.dma_semaphore, #tpu.memory_space<semaphore_mem>>
      %dma_start3A_81 = tpu.memref_slice %arg3[%mul3A_2] : memref<16384xi32, #tpu.memory_space<hbm>> -> memref<512xi32, #tpu.memory_space<hbm>>
      %dma_start3A_82 = tpu.memref_slice %arg3[%mul3A_2] : memref<16384xi32, #tpu.memory_space<hbm>> -> memref<512xi32, #tpu.memory_space<hbm>>
      tpu.enqueue_dma source(%dma_start3A_82 : memref<512xi32, #tpu.memory_space<hbm>>) target(%arg5 : memref<512xi32, #tpu.memory_space<vmem>>) target_semaphore(%run_scoped3A : memref<!tpu.dma_semaphore, #tpu.memory_space<semaphore_mem>>)
      %dma_wait3A_83 = tpu.memref_slice %arg3[%mul3A_2] : memref<16384xi32, #tpu.memory_space<hbm>> -> memref<512xi32, #tpu.memory_space<hbm>>
      %dma_wait3A_84 = tpu.memref_slice %arg3[%mul3A_2] : memref<16384xi32, #tpu.memory_space<hbm>> -> memref<512xi32, #tpu.memory_space<hbm>>
      tpu.wait_dma2 semaphore(%run_scoped3A : memref<!tpu.dma_semaphore, #tpu.memory_space<semaphore_mem>>) src(%dma_wait3A_84 : memref<512xi32, #tpu.memory_space<hbm>>) dst(%arg5 : memref<512xi32, #tpu.memory_space<vmem>>)
      tpu.yield
    }) : () -> ()
    %dma_start3A = arith.constant 0 : i32
    %dma_start3A_3 = tpu.memref_slice %arg5[%dma_start3A] : memref<512xi32, #tpu.memory_space<vmem>> -> memref<128xi32, #tpu.memory_space<vmem>>
    %dma_start3A_4 = arith.constant 0 : i32
    %dma_start3A_5 = arith.constant 0 : i32
    %dma_start3A_6 = tpu.memref_slice %arg2[%dma_start3A_4, %dma_start3A_5] : memref<8192x256xi32, #tpu.memory_space<hbm>> -> memref<8192x256xi32, #tpu.memory_space<hbm>>
    tpu.enqueue_indirect_dma source(%dma_start3A_6 : memref<8192x256xi32, #tpu.memory_space<hbm>>) target(%arg6 : memref<128x256xi32, #tpu.memory_space<vmem>>) offsets(%dma_start3A_3 : memref<128xi32, #tpu.memory_space<vmem>>) semaphore(%arg8 : memref<!tpu.dma_semaphore, #tpu.memory_space<semaphore_mem>>)
    %dma_start3A_7 = arith.constant 128 : i32
    %dma_start3A_8 = tpu.memref_slice %arg5[%dma_start3A_7] : memref<512xi32, #tpu.memory_space<vmem>> -> memref<128xi32, #tpu.memory_space<vmem>>
    %dma_start3A_9 = arith.constant 0 : i32
    %dma_start3A_10 = arith.constant 0 : i32
    %dma_start3A_11 = tpu.memref_slice %arg2[%dma_start3A_9, %dma_start3A_10] : memref<8192x256xi32, #tpu.memory_space<hbm>> -> memref<8192x256xi32, #tpu.memory_space<hbm>>
    tpu.enqueue_indirect_dma source(%dma_start3A_11 : memref<8192x256xi32, #tpu.memory_space<hbm>>) target(%arg7 : memref<128x256xi32, #tpu.memory_space<vmem>>) offsets(%dma_start3A_8 : memref<128xi32, #tpu.memory_space<vmem>>) semaphore(%arg8 : memref<!tpu.dma_semaphore, #tpu.memory_space<semaphore_mem>>)
    %dma_wait3A = arith.constant 0 : i32
    %dma_wait3A_12 = tpu.memref_slice %arg5[%dma_wait3A] : memref<512xi32, #tpu.memory_space<vmem>> -> memref<128xi32, #tpu.memory_space<vmem>>
    %dma_wait3A_13 = arith.constant 0 : i32
    %dma_wait3A_14 = arith.constant 0 : i32
    %dma_wait3A_15 = tpu.memref_slice %arg2[%dma_wait3A_13, %dma_wait3A_14] : memref<8192x256xi32, #tpu.memory_space<hbm>> -> memref<8192x256xi32, #tpu.memory_space<hbm>>
    tpu.wait_indirect_dma semaphore(%arg8 : memref<!tpu.dma_semaphore, #tpu.memory_space<semaphore_mem>>) src(%dma_wait3A_15 : memref<8192x256xi32, #tpu.memory_space<hbm>>) dst(%arg6 : memref<128x256xi32, #tpu.memory_space<vmem>>)
    %add3A_16 = arith.constant 0 : i32
    %add3A_17 = arith.addi %mul3A_2, %add3A_16 : i32
    %dma_start3A_18 = arith.constant 0 : i32
    %dma_start3A_19 = tpu.memref_slice %arg4[%add3A_17, %dma_start3A_18] : memref<16384x256xi32, #tpu.memory_space<hbm>> -> memref<128x256xi32, #tpu.memory_space<hbm>>
    %dma_start3A_20 = arith.constant 0 : i32
    %dma_start3A_21 = tpu.memref_slice %arg4[%add3A_17, %dma_start3A_20] : memref<16384x256xi32, #tpu.memory_space<hbm>> -> memref<128x256xi32, #tpu.memory_space<hbm>>
    tpu.enqueue_dma source(%arg6 : memref<128x256xi32, #tpu.memory_space<vmem>>) target(%dma_start3A_21 : memref<128x256xi32, #tpu.memory_space<hbm>>) target_semaphore(%arg9 : memref<!tpu.dma_semaphore, #tpu.memory_space<semaphore_mem>>)
    %dma_wait3A_22 = arith.constant 0 : i32
    %dma_wait3A_23 = tpu.memref_slice %arg4[%add3A_17, %dma_wait3A_22] : memref<16384x256xi32, #tpu.memory_space<hbm>> -> memref<128x256xi32, #tpu.memory_space<hbm>>
    %dma_wait3A_24 = arith.constant 0 : i32
    %dma_wait3A_25 = tpu.memref_slice %arg4[%add3A_17, %dma_wait3A_24] : memref<16384x256xi32, #tpu.memory_space<hbm>> -> memref<128x256xi32, #tpu.memory_space<hbm>>
    tpu.wait_dma2 semaphore(%arg9 : memref<!tpu.dma_semaphore, #tpu.memory_space<semaphore_mem>>) src(%arg6 : memref<128x256xi32, #tpu.memory_space<vmem>>) dst(%dma_wait3A_25 : memref<128x256xi32, #tpu.memory_space<hbm>>)
    %dma_start3A_26 = arith.constant 256 : i32
    %dma_start3A_27 = tpu.memref_slice %arg5[%dma_start3A_26] : memref<512xi32, #tpu.memory_space<vmem>> -> memref<128xi32, #tpu.memory_space<vmem>>
    %dma_start3A_28 = arith.constant 0 : i32
    %dma_start3A_29 = arith.constant 0 : i32
    %dma_start3A_30 = tpu.memref_slice %arg2[%dma_start3A_28, %dma_start3A_29] : memref<8192x256xi32, #tpu.memory_space<hbm>> -> memref<8192x256xi32, #tpu.memory_space<hbm>>
    tpu.enqueue_indirect_dma source(%dma_start3A_30 : memref<8192x256xi32, #tpu.memory_space<hbm>>) target(%arg6 : memref<128x256xi32, #tpu.memory_space<vmem>>) offsets(%dma_start3A_27 : memref<128xi32, #tpu.memory_space<vmem>>) semaphore(%arg8 : memref<!tpu.dma_semaphore, #tpu.memory_space<semaphore_mem>>)
    %dma_wait3A_31 = arith.constant 128 : i32
    %dma_wait3A_32 = tpu.memref_slice %arg5[%dma_wait3A_31] : memref<512xi32, #tpu.memory_space<vmem>> -> memref<128xi32, #tpu.memory_space<vmem>>
    %dma_wait3A_33 = arith.constant 0 : i32
    %dma_wait3A_34 = arith.constant 0 : i32
    %dma_wait3A_35 = tpu.memref_slice %arg2[%dma_wait3A_33, %dma_wait3A_34] : memref<8192x256xi32, #tpu.memory_space<hbm>> -> memref<8192x256xi32, #tpu.memory_space<hbm>>
    tpu.wait_indirect_dma semaphore(%arg8 : memref<!tpu.dma_semaphore, #tpu.memory_space<semaphore_mem>>) src(%dma_wait3A_35 : memref<8192x256xi32, #tpu.memory_space<hbm>>) dst(%arg7 : memref<128x256xi32, #tpu.memory_space<vmem>>)
    %add3A_36 = arith.constant 128 : i32
    %add3A_37 = arith.addi %mul3A_2, %add3A_36 : i32
    %dma_start3A_38 = arith.constant 0 : i32
    %dma_start3A_39 = tpu.memref_slice %arg4[%add3A_37, %dma_start3A_38] : memref<16384x256xi32, #tpu.memory_space<hbm>> -> memref<128x256xi32, #tpu.memory_space<hbm>>
    %dma_start3A_40 = arith.constant 0 : i32
    %dma_start3A_41 = tpu.memref_slice %arg4[%add3A_37, %dma_start3A_40] : memref<16384x256xi32, #tpu.memory_space<hbm>> -> memref<128x256xi32, #tpu.memory_space<hbm>>
    tpu.enqueue_dma source(%arg7 : memref<128x256xi32, #tpu.memory_space<vmem>>) target(%dma_start3A_41 : memref<128x256xi32, #tpu.memory_space<hbm>>) target_semaphore(%arg9 : memref<!tpu.dma_semaphore, #tpu.memory_space<semaphore_mem>>)
    %dma_wait3A_42 = arith.constant 0 : i32
    %dma_wait3A_43 = tpu.memref_slice %arg4[%add3A_37, %dma_wait3A_42] : memref<16384x256xi32, #tpu.memory_space<hbm>> -> memref<128x256xi32, #tpu.memory_space<hbm>>
    %dma_wait3A_44 = arith.constant 0 : i32
    %dma_wait3A_45 = tpu.memref_slice %arg4[%add3A_37, %dma_wait3A_44] : memref<16384x256xi32, #tpu.memory_space<hbm>> -> memref<128x256xi32, #tpu.memory_space<hbm>>
    tpu.wait_dma2 semaphore(%arg9 : memref<!tpu.dma_semaphore, #tpu.memory_space<semaphore_mem>>) src(%arg7 : memref<128x256xi32, #tpu.memory_space<vmem>>) dst(%dma_wait3A_45 : memref<128x256xi32, #tpu.memory_space<hbm>>)
    %dma_start3A_46 = arith.constant 384 : i32
    %dma_start3A_47 = tpu.memref_slice %arg5[%dma_start3A_46] : memref<512xi32, #tpu.memory_space<vmem>> -> memref<128xi32, #tpu.memory_space<vmem>>
    %dma_start3A_48 = arith.constant 0 : i32
    %dma_start3A_49 = arith.constant 0 : i32
    %dma_start3A_50 = tpu.memref_slice %arg2[%dma_start3A_48, %dma_start3A_49] : memref<8192x256xi32, #tpu.memory_space<hbm>> -> memref<8192x256xi32, #tpu.memory_space<hbm>>
    tpu.enqueue_indirect_dma source(%dma_start3A_50 : memref<8192x256xi32, #tpu.memory_space<hbm>>) target(%arg7 : memref<128x256xi32, #tpu.memory_space<vmem>>) offsets(%dma_start3A_47 : memref<128xi32, #tpu.memory_space<vmem>>) semaphore(%arg8 : memref<!tpu.dma_semaphore, #tpu.memory_space<semaphore_mem>>)
    %dma_wait3A_51 = arith.constant 256 : i32
    %dma_wait3A_52 = tpu.memref_slice %arg5[%dma_wait3A_51] : memref<512xi32, #tpu.memory_space<vmem>> -> memref<128xi32, #tpu.memory_space<vmem>>
    %dma_wait3A_53 = arith.constant 0 : i32
    %dma_wait3A_54 = arith.constant 0 : i32
    %dma_wait3A_55 = tpu.memref_slice %arg2[%dma_wait3A_53, %dma_wait3A_54] : memref<8192x256xi32, #tpu.memory_space<hbm>> -> memref<8192x256xi32, #tpu.memory_space<hbm>>
    tpu.wait_indirect_dma semaphore(%arg8 : memref<!tpu.dma_semaphore, #tpu.memory_space<semaphore_mem>>) src(%dma_wait3A_55 : memref<8192x256xi32, #tpu.memory_space<hbm>>) dst(%arg6 : memref<128x256xi32, #tpu.memory_space<vmem>>)
    %add3A_56 = arith.constant 256 : i32
    %add3A_57 = arith.addi %mul3A_2, %add3A_56 : i32
    %dma_start3A_58 = arith.constant 0 : i32
    %dma_start3A_59 = tpu.memref_slice %arg4[%add3A_57, %dma_start3A_58] : memref<16384x256xi32, #tpu.memory_space<hbm>> -> memref<128x256xi32, #tpu.memory_space<hbm>>
    %dma_start3A_60 = arith.constant 0 : i32
    %dma_start3A_61 = tpu.memref_slice %arg4[%add3A_57, %dma_start3A_60] : memref<16384x256xi32, #tpu.memory_space<hbm>> -> memref<128x256xi32, #tpu.memory_space<hbm>>
    tpu.enqueue_dma source(%arg6 : memref<128x256xi32, #tpu.memory_space<vmem>>) target(%dma_start3A_61 : memref<128x256xi32, #tpu.memory_space<hbm>>) target_semaphore(%arg9 : memref<!tpu.dma_semaphore, #tpu.memory_space<semaphore_mem>>)
    %dma_wait3A_62 = arith.constant 384 : i32
    %dma_wait3A_63 = tpu.memref_slice %arg5[%dma_wait3A_62] : memref<512xi32, #tpu.memory_space<vmem>> -> memref<128xi32, #tpu.memory_space<vmem>>
    %dma_wait3A_64 = arith.constant 0 : i32
    %dma_wait3A_65 = arith.constant 0 : i32
    %dma_wait3A_66 = tpu.memref_slice %arg2[%dma_wait3A_64, %dma_wait3A_65] : memref<8192x256xi32, #tpu.memory_space<hbm>> -> memref<8192x256xi32, #tpu.memory_space<hbm>>
    tpu.wait_indirect_dma semaphore(%arg8 : memref<!tpu.dma_semaphore, #tpu.memory_space<semaphore_mem>>) src(%dma_wait3A_66 : memref<8192x256xi32, #tpu.memory_space<hbm>>) dst(%arg7 : memref<128x256xi32, #tpu.memory_space<vmem>>)
    %add3A_67 = arith.constant 384 : i32
    %add3A_68 = arith.addi %mul3A_2, %add3A_67 : i32
    %dma_start3A_69 = arith.constant 0 : i32
    %dma_start3A_70 = tpu.memref_slice %arg4[%add3A_68, %dma_start3A_69] : memref<16384x256xi32, #tpu.memory_space<hbm>> -> memref<128x256xi32, #tpu.memory_space<hbm>>
    %dma_start3A_71 = arith.constant 0 : i32
    %dma_start3A_72 = tpu.memref_slice %arg4[%add3A_68, %dma_start3A_71] : memref<16384x256xi32, #tpu.memory_space<hbm>> -> memref<128x256xi32, #tpu.memory_space<hbm>>
    tpu.enqueue_dma source(%arg7 : memref<128x256xi32, #tpu.memory_space<vmem>>) target(%dma_start3A_72 : memref<128x256xi32, #tpu.memory_space<hbm>>) target_semaphore(%arg9 : memref<!tpu.dma_semaphore, #tpu.memory_space<semaphore_mem>>)
    %dma_wait3A_73 = arith.constant 0 : i32
    %dma_wait3A_74 = tpu.memref_slice %arg4[%add3A_57, %dma_wait3A_73] : memref<16384x256xi32, #tpu.memory_space<hbm>> -> memref<128x256xi32, #tpu.memory_space<hbm>>
    %dma_wait3A_75 = arith.constant 0 : i32
    %dma_wait3A_76 = tpu.memref_slice %arg4[%add3A_57, %dma_wait3A_75] : memref<16384x256xi32, #tpu.memory_space<hbm>> -> memref<128x256xi32, #tpu.memory_space<hbm>>
    tpu.wait_dma2 semaphore(%arg9 : memref<!tpu.dma_semaphore, #tpu.memory_space<semaphore_mem>>) src(%arg6 : memref<128x256xi32, #tpu.memory_space<vmem>>) dst(%dma_wait3A_76 : memref<128x256xi32, #tpu.memory_space<hbm>>)
    %dma_wait3A_77 = arith.constant 0 : i32
    %dma_wait3A_78 = tpu.memref_slice %arg4[%add3A_68, %dma_wait3A_77] : memref<16384x256xi32, #tpu.memory_space<hbm>> -> memref<128x256xi32, #tpu.memory_space<hbm>>
    %dma_wait3A_79 = arith.constant 0 : i32
    %dma_wait3A_80 = tpu.memref_slice %arg4[%add3A_68, %dma_wait3A_79] : memref<16384x256xi32, #tpu.memory_space<hbm>> -> memref<128x256xi32, #tpu.memory_space<hbm>>
    tpu.wait_dma2 semaphore(%arg9 : memref<!tpu.dma_semaphore, #tpu.memory_space<semaphore_mem>>) src(%arg7 : memref<128x256xi32, #tpu.memory_space<vmem>>) dst(%dma_wait3A_80 : memref<128x256xi32, #tpu.memory_space<hbm>>)
    return
  }
}

module attributes {stable_mosaic.version = 14 : i64} {
  func.func @_mlp_body0(%arg0: i32, %arg1: memref<2x1024x256xi32, #tpu.memory_space<vmem>>, %arg2: memref<1024x512xf32, #tpu.memory_space<vmem>>, %arg3: memref<512x512xf32, #tpu.memory_space<vmem>>, %arg4: memref<1x512xf32, #tpu.memory_space<vmem>>, %arg5: memref<1x512xf32, #tpu.memory_space<vmem>>, %arg6: memref<1x512xf32, #tpu.memory_space<vmem>>, %arg7: memref<512x512xf32, #tpu.memory_space<vmem>>, %arg8: memref<1x512xf32, #tpu.memory_space<vmem>>, %arg9: memref<1024x512xf32, #tpu.memory_space<vmem>>) attributes {dimension_semantics = [#tpu.dimension_semantics<arbitrary>], iteration_bounds = array<i64: 8>, scalar_prefetch = 0 : i64, scratch_operands = 0 : i64, tpu.core_type = #tpu.core_type<tc>, window_params = [{transform_indices = @transform_0, window_bounds = array<i64: 2, 1024, 256>}, {transform_indices = @transform_1, window_bounds = array<i64: 1024, 512>}, {transform_indices = @transform_2, window_bounds = array<i64: 512, 512>}, {pipeline_mode = #tpu.pipeline_mode<synchronous>, transform_indices = @transform_3, window_bounds = array<i64: 1, 512>}, {pipeline_mode = #tpu.pipeline_mode<synchronous>, transform_indices = @transform_4, window_bounds = array<i64: 1, 512>}, {pipeline_mode = #tpu.pipeline_mode<synchronous>, transform_indices = @transform_5, window_bounds = array<i64: 1, 512>}, {pipeline_mode = #tpu.pipeline_mode<synchronous>, transform_indices = @transform_6, window_bounds = array<i64: 512, 512>}, {pipeline_mode = #tpu.pipeline_mode<synchronous>, transform_indices = @transform_7, window_bounds = array<i64: 1, 512>}, {transform_indices = @transform_8, window_bounds = array<i64: 1024, 512>}]} {
    %get3A = arith.constant 0 : index
    %get3A_0 = arith.constant 0 : index
    %get3A_1 = arith.constant 0 : index
    %get3A_2 = vector.load %arg1[%get3A, %get3A_0, %get3A_1] : memref<2x1024x256xi32, #tpu.memory_space<vmem>>, vector<1x1024x256xi32>
    %get3A_3 = vector.shape_cast %get3A_2 : vector<1x1024x256xi32> to vector<1024x256xi32>
    %get3A_4 = arith.constant 1 : index
    %get3A_5 = arith.constant 0 : index
    %get3A_6 = arith.constant 0 : index
    %get3A_7 = vector.load %arg1[%get3A_4, %get3A_5, %get3A_6] : memref<2x1024x256xi32, #tpu.memory_space<vmem>>, vector<1x1024x256xi32>
    %get3A_8 = vector.shape_cast %get3A_7 : vector<1x1024x256xi32> to vector<1024x256xi32>
    %get3A_9 = arith.constant 0 : index
    %get3A_10 = arith.constant 0 : index
    %get3A_11 = vector.load %arg2[%get3A_9, %get3A_10] : memref<1024x512xf32, #tpu.memory_space<vmem>>, vector<1024x512xf32>
    %get3A_12 = arith.constant 0 : index
    %get3A_13 = arith.constant 0 : index
    %get3A_14 = vector.load %arg3[%get3A_12, %get3A_13] : memref<512x512xf32, #tpu.memory_space<vmem>>, vector<512x512xf32>
    %get3A_15 = arith.constant 0 : index
    %get3A_16 = arith.constant 0 : index
    %get3A_17 = vector.load %arg4[%get3A_15, %get3A_16] : memref<1x512xf32, #tpu.memory_space<vmem>>, vector<1x512xf32>
    %get3A_18 = arith.constant 0 : index
    %get3A_19 = arith.constant 0 : index
    %get3A_20 = vector.load %arg5[%get3A_18, %get3A_19] : memref<1x512xf32, #tpu.memory_space<vmem>>, vector<1x512xf32>
    %get3A_21 = arith.constant 0 : index
    %get3A_22 = arith.constant 0 : index
    %get3A_23 = vector.load %arg6[%get3A_21, %get3A_22] : memref<1x512xf32, #tpu.memory_space<vmem>>, vector<1x512xf32>
    %get3A_24 = arith.constant 0 : index
    %get3A_25 = arith.constant 0 : index
    %get3A_26 = vector.load %arg7[%get3A_24, %get3A_25] : memref<512x512xf32, #tpu.memory_space<vmem>>, vector<512x512xf32>
    %get3A_27 = arith.constant 0 : index
    %get3A_28 = arith.constant 0 : index
    %get3A_29 = vector.load %arg8[%get3A_27, %get3A_28] : memref<1x512xf32, #tpu.memory_space<vmem>>, vector<1x512xf32>
    %dot_general3A = arith.constant dense<0.000000e+00> : vector<1024x512xf32>
    %dot_general3A_30 = tpu.matmul %get3A_11, %get3A_14, %dot_general3A {dimension_numbers = #tpu.dot_dimension_numbers<[1], [0], [0], [1], [0, 0, 1, 1], [], []>, transpose_lhs_hint = false} : vector<1024x512xf32>, vector<512x512xf32>, vector<1024x512xf32> -> vector<1024x512xf32>
    %bitcast3A = tpu.bitcast %get3A_3 : vector<1024x256xi32> -> vector<1024x256xi32>
    %and3A = arith.constant 65535 : i32
    %and3A_31 = vector.broadcast %and3A : i32 to vector<1024x256xi32>
    %and3A_32 = arith.andi %bitcast3A, %and3A_31 : vector<1024x256xi32>
    %convert_element_type3A = arith.trunci %and3A_32 : vector<1024x256xi32> to vector<1024x256xi16>
    %bitcast3A_33 = tpu.bitcast %convert_element_type3A : vector<1024x256xi16> -> vector<1024x256xbf16>
    %shift_right_logical3A = arith.constant 16 : i32
    %shift_right_logical3A_34 = vector.broadcast %shift_right_logical3A : i32 to vector<1024x256xi32>
    %shift_right_logical3A_35 = arith.shrui %bitcast3A, %shift_right_logical3A_34 : vector<1024x256xi32>
    %convert_element_type3A_36 = arith.trunci %shift_right_logical3A_35 : vector<1024x256xi32> to vector<1024x256xi16>
    %bitcast3A_37 = tpu.bitcast %convert_element_type3A_36 : vector<1024x256xi16> -> vector<1024x256xbf16>
    %convert_element_type3A_38 = arith.extf %bitcast3A_33 : vector<1024x256xbf16> to vector<1024x256xf32>
    %convert_element_type3A_39 = arith.extf %bitcast3A_37 : vector<1024x256xbf16> to vector<1024x256xf32>
    %bitcast3A_40 = tpu.bitcast %get3A_8 : vector<1024x256xi32> -> vector<1024x256xi32>
    %and3A_41 = arith.constant 65535 : i32
    %and3A_42 = vector.broadcast %and3A_41 : i32 to vector<1024x256xi32>
    %and3A_43 = arith.andi %bitcast3A_40, %and3A_42 : vector<1024x256xi32>
    %convert_element_type3A_44 = arith.trunci %and3A_43 : vector<1024x256xi32> to vector<1024x256xi16>
    %bitcast3A_45 = tpu.bitcast %convert_element_type3A_44 : vector<1024x256xi16> -> vector<1024x256xbf16>
    %shift_right_logical3A_46 = arith.constant 16 : i32
    %shift_right_logical3A_47 = vector.broadcast %shift_right_logical3A_46 : i32 to vector<1024x256xi32>
    %shift_right_logical3A_48 = arith.shrui %bitcast3A_40, %shift_right_logical3A_47 : vector<1024x256xi32>
    %convert_element_type3A_49 = arith.trunci %shift_right_logical3A_48 : vector<1024x256xi32> to vector<1024x256xi16>
    %bitcast3A_50 = tpu.bitcast %convert_element_type3A_49 : vector<1024x256xi16> -> vector<1024x256xbf16>
    %convert_element_type3A_51 = arith.extf %bitcast3A_45 : vector<1024x256xbf16> to vector<1024x256xf32>
    %convert_element_type3A_52 = arith.extf %bitcast3A_50 : vector<1024x256xbf16> to vector<1024x256xf32>
    %add3A = arith.addf %convert_element_type3A_38, %convert_element_type3A_51 : vector<1024x256xf32>
    %add3A_53 = arith.addf %convert_element_type3A_39, %convert_element_type3A_52 : vector<1024x256xf32>
    %concatenate3A = tpu.concatenate %add3A, %add3A_53 in 1 : vector<1024x256xf32>, vector<1024x256xf32> -> vector<1024x512xf32>
    %add3A_54 = arith.addf %dot_general3A_30, %concatenate3A : vector<1024x512xf32>
    %add3A_55 = vector.broadcast %get3A_17 : vector<1x512xf32> to vector<1024x512xf32>
    %add3A_56 = arith.addf %add3A_54, %add3A_55 : vector<1024x512xf32>
    %reduce_sum3A = arith.constant dense<0.000000e+00> : vector<1024xf32>
    %reduce_sum3A_57 = vector.multi_reduction <add>, %add3A_56, %reduce_sum3A [1] : vector<1024x512xf32> to vector<1024xf32>
    %broadcast_in_dim3A = vector.shape_cast %reduce_sum3A_57 : vector<1024xf32> to vector<1024x1xf32>
    %div3A = arith.constant 5.120000e+02 : f32
    %div3A_58 = vector.broadcast %div3A : f32 to vector<1024x1xf32>
    %div3A_59 = arith.divf %broadcast_in_dim3A, %div3A_58 : vector<1024x1xf32>
    %sub3A = vector.broadcast %div3A_59 : vector<1024x1xf32> to vector<1024x512xf32>
    %sub3A_60 = arith.subf %add3A_56, %sub3A : vector<1024x512xf32>
    %integer_pow3A = arith.mulf %sub3A_60, %sub3A_60 : vector<1024x512xf32>
    %reduce_sum3A_61 = arith.constant dense<0.000000e+00> : vector<1024xf32>
    %reduce_sum3A_62 = vector.multi_reduction <add>, %integer_pow3A, %reduce_sum3A_61 [1] : vector<1024x512xf32> to vector<1024xf32>
    %broadcast_in_dim3A_63 = vector.shape_cast %reduce_sum3A_62 : vector<1024xf32> to vector<1024x1xf32>
    %div3A_64 = arith.constant 5.120000e+02 : f32
    %div3A_65 = vector.broadcast %div3A_64 : f32 to vector<1024x1xf32>
    %div3A_66 = arith.divf %broadcast_in_dim3A_63, %div3A_65 : vector<1024x1xf32>
    %sub3A_67 = vector.broadcast %div3A_59 : vector<1024x1xf32> to vector<1024x512xf32>
    %sub3A_68 = arith.subf %add3A_56, %sub3A_67 : vector<1024x512xf32>
    %add3A_69 = arith.constant 9.99999974E-6 : f32
    %add3A_70 = vector.broadcast %add3A_69 : f32 to vector<1024x1xf32>
    %add3A_71 = arith.addf %div3A_66, %add3A_70 : vector<1024x1xf32>
    %rsqrt3A = math.rsqrt %add3A_71 : vector<1024x1xf32>
    %mul3A = vector.broadcast %rsqrt3A : vector<1024x1xf32> to vector<1024x512xf32>
    %mul3A_72 = arith.mulf %sub3A_68, %mul3A : vector<1024x512xf32>
    %mul3A_73 = vector.broadcast %get3A_20 : vector<1x512xf32> to vector<1024x512xf32>
    %mul3A_74 = arith.mulf %mul3A_72, %mul3A_73 : vector<1024x512xf32>
    %add3A_75 = vector.broadcast %get3A_23 : vector<1x512xf32> to vector<1024x512xf32>
    %add3A_76 = arith.addf %mul3A_74, %add3A_75 : vector<1024x512xf32>
    %mul3A_77 = arith.constant 5.000000e-01 : f32
    %mul3A_78 = vector.broadcast %mul3A_77 : f32 to vector<1024x512xf32>
    %mul3A_79 = arith.mulf %add3A_76, %mul3A_78 : vector<1024x512xf32>
    %mul3A_80 = arith.constant 0.707106769 : f32
    %mul3A_81 = vector.broadcast %mul3A_80 : f32 to vector<1024x512xf32>
    %mul3A_82 = arith.mulf %add3A_76, %mul3A_81 : vector<1024x512xf32>
    %erf3A = math.erf %mul3A_82 : vector<1024x512xf32>
    %add3A_83 = arith.constant 1.000000e+00 : f32
    %add3A_84 = vector.broadcast %add3A_83 : f32 to vector<1024x512xf32>
    %add3A_85 = arith.addf %add3A_84, %erf3A : vector<1024x512xf32>
    %mul3A_86 = arith.mulf %mul3A_79, %add3A_85 : vector<1024x512xf32>
    %dot_general3A_87 = arith.constant dense<0.000000e+00> : vector<1024x512xf32>
    %dot_general3A_88 = tpu.matmul %mul3A_86, %get3A_26, %dot_general3A_87 {dimension_numbers = #tpu.dot_dimension_numbers<[1], [0], [0], [1], [0, 0, 1, 1], [], []>, transpose_lhs_hint = false} : vector<1024x512xf32>, vector<512x512xf32>, vector<1024x512xf32> -> vector<1024x512xf32>
    %add3A_89 = vector.broadcast %get3A_29 : vector<1x512xf32> to vector<1024x512xf32>
    %add3A_90 = arith.addf %dot_general3A_88, %add3A_89 : vector<1024x512xf32>
    %swap3A = arith.constant 0 : index
    %swap3A_91 = arith.constant 0 : index
    %swap3A_92 = vector.load %arg9[%swap3A, %swap3A_91] : memref<1024x512xf32, #tpu.memory_space<vmem>>, vector<1024x512xf32>
    tpu.vector_store %arg9[%swap3A, %swap3A_91], %add3A_90 {strides = array<i32>} : memref<1024x512xf32, #tpu.memory_space<vmem>>, vector<1024x512xf32>,
    return
  }
  func.func @transform_0(%arg0: i32) -> (i32, i32, i32) {
    %c0_i32 = arith.constant 0 : i32
    %c0_i32_0 = arith.constant 0 : i32
    %c0_i32_1 = arith.constant 0 : i32
    return %c0_i32, %arg0, %c0_i32_0 : i32, i32, i32
  }
  func.func @transform_1(%arg0: i32) -> (i32, i32) {
    %add3A = arith.constant 0 : i32
    %add3A_0 = arith.addi %arg0, %add3A : i32
    %c0_i32 = arith.constant 0 : i32
    %c0_i32_1 = arith.constant 0 : i32
    return %add3A_0, %c0_i32 : i32, i32
  }
  func.func @transform_2(%arg0: i32) -> (i32, i32) {
    %c1_i32 = arith.constant 1 : i32
    %c0_i32 = arith.constant 0 : i32
    %c0_i32_0 = arith.constant 0 : i32
    return %c1_i32, %c0_i32 : i32, i32
  }
  func.func @transform_3(%arg0: i32) -> (i32, i32) {
    %c0_i32 = arith.constant 0 : i32
    %c0_i32_0 = arith.constant 0 : i32
    %c0_i32_1 = arith.constant 0 : i32
    return %c0_i32, %c0_i32_0 : i32, i32
  }
  func.func @transform_4(%arg0: i32) -> (i32, i32) {
    %c0_i32 = arith.constant 0 : i32
    %c0_i32_0 = arith.constant 0 : i32
    %c0_i32_1 = arith.constant 0 : i32
    return %c0_i32, %c0_i32_0 : i32, i32
  }
  func.func @transform_5(%arg0: i32) -> (i32, i32) {
    %c0_i32 = arith.constant 0 : i32
    %c0_i32_0 = arith.constant 0 : i32
    %c0_i32_1 = arith.constant 0 : i32
    return %c0_i32, %c0_i32_0 : i32, i32
  }
  func.func @transform_6(%arg0: i32) -> (i32, i32) {
    %c0_i32 = arith.constant 0 : i32
    %c0_i32_0 = arith.constant 0 : i32
    %c0_i32_1 = arith.constant 0 : i32
    return %c0_i32, %c0_i32_0 : i32, i32
  }
  func.func @transform_7(%arg0: i32) -> (i32, i32) {
    %c0_i32 = arith.constant 0 : i32
    %c0_i32_0 = arith.constant 0 : i32
    %c0_i32_1 = arith.constant 0 : i32
    return %c0_i32, %c0_i32_0 : i32, i32
  }
  func.func @transform_8(%arg0: i32) -> (i32, i32) {
    %add3A = arith.constant 0 : i32
    %add3A_0 = arith.addi %arg0, %add3A : i32
    %c0_i32 = arith.constant 0 : i32
    %c0_i32_1 = arith.constant 0 : i32
    return %add3A_0, %c0_i32 : i32, i32
  }
}

module attributes {stable_mosaic.version = 14 : i64} {
  func.func @_proj_body(%arg0: i32, %arg1: memref<512x512xf32, #tpu.memory_space<vmem>>, %arg2: memref<512x512xf32, #tpu.memory_space<vmem>>, %arg3: memref<512x256xi32, #tpu.memory_space<vmem>>) attributes {dimension_semantics = [#tpu.dimension_semantics<arbitrary>], iteration_bounds = array<i64: 16>, scalar_prefetch = 0 : i64, scratch_operands = 0 : i64, tpu.core_type = #tpu.core_type<tc>, window_params = [{transform_indices = @transform_0, window_bounds = array<i64: 512, 512>}, {transform_indices = @transform_1, window_bounds = array<i64: 512, 512>}, {transform_indices = @transform_2, window_bounds = array<i64: 512, 256>}]} {
    %get3A = arith.constant 0 : index
    %get3A_0 = arith.constant 0 : index
    %get3A_1 = vector.load %arg1[%get3A, %get3A_0] : memref<512x512xf32, #tpu.memory_space<vmem>>, vector<512x512xf32>
    %get3A_2 = arith.constant 0 : index
    %get3A_3 = arith.constant 0 : index
    %get3A_4 = vector.load %arg2[%get3A_2, %get3A_3] : memref<512x512xf32, #tpu.memory_space<vmem>>, vector<512x512xf32>
    %dot_general3A = arith.constant dense<0.000000e+00> : vector<512x512xf32>
    %dot_general3A_5 = tpu.matmul %get3A_1, %get3A_4, %dot_general3A {dimension_numbers = #tpu.dot_dimension_numbers<[1], [0], [0], [1], [0, 0, 1, 1], [], []>, transpose_lhs_hint = false} : vector<512x512xf32>, vector<512x512xf32>, vector<512x512xf32> -> vector<512x512xf32>
    %slice3A = vector.extract_strided_slice %dot_general3A_5 {offsets = [0, 0], sizes = [512, 256], strides = [1, 1]} : vector<512x512xf32> to vector<512x256xf32>
    %convert_element_type3A = arith.truncf %slice3A : vector<512x256xf32> to vector<512x256xbf16>
    %bitcast3A = tpu.bitcast %convert_element_type3A : vector<512x256xbf16> -> vector<512x256xi16>
    %slice3A_6 = vector.extract_strided_slice %dot_general3A_5 {offsets = [0, 256], sizes = [512, 256], strides = [1, 1]} : vector<512x512xf32> to vector<512x256xf32>
    %convert_element_type3A_7 = arith.truncf %slice3A_6 : vector<512x256xf32> to vector<512x256xbf16>
    %bitcast3A_8 = tpu.bitcast %convert_element_type3A_7 : vector<512x256xbf16> -> vector<512x256xi16>
    %convert_element_type3A_9 = arith.extui %bitcast3A_8 : vector<512x256xi16> to vector<512x256xi32>
    %shift_left3A = arith.constant 16 : i32
    %shift_left3A_10 = vector.broadcast %shift_left3A : i32 to vector<512x256xi32>
    %shift_left3A_11 = arith.shli %convert_element_type3A_9, %shift_left3A_10 : vector<512x256xi32>
    %convert_element_type3A_12 = arith.extui %bitcast3A : vector<512x256xi16> to vector<512x256xi32>
    %or3A = arith.ori %shift_left3A_11, %convert_element_type3A_12 : vector<512x256xi32>
    %bitcast3A_13 = tpu.bitcast %or3A : vector<512x256xi32> -> vector<512x256xi32>
    %swap3A = arith.constant 0 : index
    %swap3A_14 = arith.constant 0 : index
    %swap3A_15 = vector.load %arg3[%swap3A, %swap3A_14] : memref<512x256xi32, #tpu.memory_space<vmem>>, vector<512x256xi32>
    tpu.vector_store %arg3[%swap3A, %swap3A_14], %bitcast3A_13 {strides = array<i32>} : memref<512x256xi32, #tpu.memory_space<vmem>>, vector<512x256xi32>,
    return
  }
  func.func @transform_0(%arg0: i32) -> (i32, i32) {
    %jit3A = arith.constant 8 : i32
    %eq3A = arith.constant 0 : i32
    %eq3A_0 = arith.cmpi eq, %jit3A, %eq3A : i32
    %jit3A_1 = arith.constant 1 : i32
    %select_n3A = arith.select %eq3A_0, %jit3A_1, %jit3A : i32
    %rem3A = arith.remsi %arg0, %select_n3A : i32
    %ne3A = arith.constant 0 : i32
    %ne3A_2 = arith.cmpi ne, %rem3A, %ne3A : i32
    %lt3A = arith.constant 0 : i32
    %lt3A_3 = arith.cmpi slt, %rem3A, %lt3A : i32
    %lt3A_4 = arith.constant 0 : i32
    %lt3A_5 = arith.cmpi slt, %select_n3A, %lt3A_4 : i32
    %ne3A_6 = arith.xori %lt3A_3, %lt3A_5 : i1
    %and3A = arith.andi %ne3A_6, %ne3A_2 : i1
    %add3A = arith.addi %rem3A, %select_n3A : i32
    %select_n3A_7 = arith.select %and3A, %add3A, %rem3A : i32
    %c0_i32 = arith.constant 0 : i32
    %c0_i32_8 = arith.constant 0 : i32
    return %select_n3A_7, %c0_i32 : i32, i32
  }
  func.func @transform_1(%arg0: i32) -> (i32, i32) {
    %jit3A = arith.constant 8 : i32
    %div3A = arith.divsi %arg0, %jit3A : i32
    %sign3A = arith.constant 0 : i32
    %sign3A_0 = arith.cmpi sgt, %arg0, %sign3A : i32
    %sign3A_1 = arith.extui %sign3A_0 : i1 to i32
    %sign3A_2 = arith.constant 0 : i32
    %sign3A_3 = arith.cmpi slt, %arg0, %sign3A_2 : i32
    %sign3A_4 = arith.extui %sign3A_3 : i1 to i32
    %sign3A_5 = arith.subi %sign3A_1, %sign3A_4 : i32
    %sign3A_6 = arith.constant 0 : i32
    %sign3A_7 = arith.cmpi sgt, %jit3A, %sign3A_6 : i32
    %sign3A_8 = arith.extui %sign3A_7 : i1 to i32
    %sign3A_9 = arith.constant 0 : i32
    %sign3A_10 = arith.cmpi slt, %jit3A, %sign3A_9 : i32
    %sign3A_11 = arith.extui %sign3A_10 : i1 to i32
    %sign3A_12 = arith.subi %sign3A_8, %sign3A_11 : i32
    %ne3A = arith.cmpi ne, %sign3A_5, %sign3A_12 : i32
    %rem3A = arith.remsi %arg0, %jit3A : i32
    %ne3A_13 = arith.constant 0 : i32
    %ne3A_14 = arith.cmpi ne, %rem3A, %ne3A_13 : i32
    %and3A = arith.andi %ne3A, %ne3A_14 : i1
    %sub3A = arith.constant 1 : i32
    %sub3A_15 = arith.subi %div3A, %sub3A : i32
    %select_n3A = arith.select %and3A, %sub3A_15, %div3A : i32
    %mul3A = arith.constant 2 : i32
    %mul3A_16 = arith.muli %mul3A, %select_n3A : i32
    %c0_i32 = arith.constant 0 : i32
    %c0_i32_17 = arith.constant 0 : i32
    return %mul3A_16, %c0_i32 : i32, i32
  }
  func.func @transform_2(%arg0: i32) -> (i32, i32) {
    %c0_i32 = arith.constant 0 : i32
    %c0_i32_0 = arith.constant 0 : i32
    return %arg0, %c0_i32 : i32, i32
  }
}

module attributes {stable_mosaic.version = 14 : i64} {
  func.func @_mlp_body1(%arg0: i32, %arg1: memref<16384x512xf32, #tpu.memory_space<any>>, %arg2: memref<2x1024x256xi32, #tpu.memory_space<vmem>>, %arg3: memref<1024x512xf32, #tpu.memory_space<vmem>>, %arg4: memref<512x512xf32, #tpu.memory_space<vmem>>, %arg5: memref<1x512xf32, #tpu.memory_space<vmem>>, %arg6: memref<1x512xf32, #tpu.memory_space<vmem>>, %arg7: memref<1x512xf32, #tpu.memory_space<vmem>>, %arg8: memref<512x512xf32, #tpu.memory_space<vmem>>, %arg9: memref<1x512xf32, #tpu.memory_space<vmem>>, %arg10: memref<1024x512xf32, #tpu.memory_space<vmem>>) attributes {dimension_semantics = [#tpu.dimension_semantics<arbitrary>], iteration_bounds = array<i64: 8>, scalar_prefetch = 0 : i64, scratch_operands = 0 : i64, tpu.core_type = #tpu.core_type<tc>, window_params = [{}, {transform_indices = @transform_1, window_bounds = array<i64: 2, 1024, 256>}, {transform_indices = @transform_2, window_bounds = array<i64: 1024, 512>}, {transform_indices = @transform_3, window_bounds = array<i64: 512, 512>}, {pipeline_mode = #tpu.pipeline_mode<synchronous>, transform_indices = @transform_4, window_bounds = array<i64: 1, 512>}, {pipeline_mode = #tpu.pipeline_mode<synchronous>, transform_indices = @transform_5, window_bounds = array<i64: 1, 512>}, {pipeline_mode = #tpu.pipeline_mode<synchronous>, transform_indices = @transform_6, window_bounds = array<i64: 1, 512>}, {pipeline_mode = #tpu.pipeline_mode<synchronous>, transform_indices = @transform_7, window_bounds = array<i64: 512, 512>}, {pipeline_mode = #tpu.pipeline_mode<synchronous>, transform_indices = @transform_8, window_bounds = array<i64: 1, 512>}, {transform_indices = @transform_9, window_bounds = array<i64: 1024, 512>}]} {
    %get3A = arith.constant 0 : index
    %get3A_0 = arith.constant 0 : index
    %get3A_1 = arith.constant 0 : index
    %get3A_2 = vector.load %arg2[%get3A, %get3A_0, %get3A_1] : memref<2x1024x256xi32, #tpu.memory_space<vmem>>, vector<1x1024x256xi32>
    %get3A_3 = vector.shape_cast %get3A_2 : vector<1x1024x256xi32> to vector<1024x256xi32>
    %get3A_4 = arith.constant 1 : index
    %get3A_5 = arith.constant 0 : index
    %get3A_6 = arith.constant 0 : index
    %get3A_7 = vector.load %arg2[%get3A_4, %get3A_5, %get3A_6] : memref<2x1024x256xi32, #tpu.memory_space<vmem>>, vector<1x1024x256xi32>
    %get3A_8 = vector.shape_cast %get3A_7 : vector<1x1024x256xi32> to vector<1024x256xi32>
    %get3A_9 = arith.constant 0 : index
    %get3A_10 = arith.constant 0 : index
    %get3A_11 = vector.load %arg3[%get3A_9, %get3A_10] : memref<1024x512xf32, #tpu.memory_space<vmem>>, vector<1024x512xf32>
    %get3A_12 = arith.constant 0 : index
    %get3A_13 = arith.constant 0 : index
    %get3A_14 = vector.load %arg4[%get3A_12, %get3A_13] : memref<512x512xf32, #tpu.memory_space<vmem>>, vector<512x512xf32>
    %get3A_15 = arith.constant 0 : index
    %get3A_16 = arith.constant 0 : index
    %get3A_17 = vector.load %arg5[%get3A_15, %get3A_16] : memref<1x512xf32, #tpu.memory_space<vmem>>, vector<1x512xf32>
    %get3A_18 = arith.constant 0 : index
    %get3A_19 = arith.constant 0 : index
    %get3A_20 = vector.load %arg6[%get3A_18, %get3A_19] : memref<1x512xf32, #tpu.memory_space<vmem>>, vector<1x512xf32>
    %get3A_21 = arith.constant 0 : index
    %get3A_22 = arith.constant 0 : index
    %get3A_23 = vector.load %arg7[%get3A_21, %get3A_22] : memref<1x512xf32, #tpu.memory_space<vmem>>, vector<1x512xf32>
    %get3A_24 = arith.constant 0 : index
    %get3A_25 = arith.constant 0 : index
    %get3A_26 = vector.load %arg8[%get3A_24, %get3A_25] : memref<512x512xf32, #tpu.memory_space<vmem>>, vector<512x512xf32>
    %get3A_27 = arith.constant 0 : index
    %get3A_28 = arith.constant 0 : index
    %get3A_29 = vector.load %arg9[%get3A_27, %get3A_28] : memref<1x512xf32, #tpu.memory_space<vmem>>, vector<1x512xf32>
    %dot_general3A = arith.constant dense<0.000000e+00> : vector<1024x512xf32>
    %dot_general3A_30 = tpu.matmul %get3A_11, %get3A_14, %dot_general3A {dimension_numbers = #tpu.dot_dimension_numbers<[1], [0], [0], [1], [0, 0, 1, 1], [], []>, transpose_lhs_hint = false} : vector<1024x512xf32>, vector<512x512xf32>, vector<1024x512xf32> -> vector<1024x512xf32>
    %bitcast3A = tpu.bitcast %get3A_3 : vector<1024x256xi32> -> vector<1024x256xi32>
    %and3A = arith.constant 65535 : i32
    %and3A_31 = vector.broadcast %and3A : i32 to vector<1024x256xi32>
    %and3A_32 = arith.andi %bitcast3A, %and3A_31 : vector<1024x256xi32>
    %convert_element_type3A = arith.trunci %and3A_32 : vector<1024x256xi32> to vector<1024x256xi16>
    %bitcast3A_33 = tpu.bitcast %convert_element_type3A : vector<1024x256xi16> -> vector<1024x256xbf16>
    %shift_right_logical3A = arith.constant 16 : i32
    %shift_right_logical3A_34 = vector.broadcast %shift_right_logical3A : i32 to vector<1024x256xi32>
    %shift_right_logical3A_35 = arith.shrui %bitcast3A, %shift_right_logical3A_34 : vector<1024x256xi32>
    %convert_element_type3A_36 = arith.trunci %shift_right_logical3A_35 : vector<1024x256xi32> to vector<1024x256xi16>
    %bitcast3A_37 = tpu.bitcast %convert_element_type3A_36 : vector<1024x256xi16> -> vector<1024x256xbf16>
    %convert_element_type3A_38 = arith.extf %bitcast3A_33 : vector<1024x256xbf16> to vector<1024x256xf32>
    %convert_element_type3A_39 = arith.extf %bitcast3A_37 : vector<1024x256xbf16> to vector<1024x256xf32>
    %bitcast3A_40 = tpu.bitcast %get3A_8 : vector<1024x256xi32> -> vector<1024x256xi32>
    %and3A_41 = arith.constant 65535 : i32
    %and3A_42 = vector.broadcast %and3A_41 : i32 to vector<1024x256xi32>
    %and3A_43 = arith.andi %bitcast3A_40, %and3A_42 : vector<1024x256xi32>
    %convert_element_type3A_44 = arith.trunci %and3A_43 : vector<1024x256xi32> to vector<1024x256xi16>
    %bitcast3A_45 = tpu.bitcast %convert_element_type3A_44 : vector<1024x256xi16> -> vector<1024x256xbf16>
    %shift_right_logical3A_46 = arith.constant 16 : i32
    %shift_right_logical3A_47 = vector.broadcast %shift_right_logical3A_46 : i32 to vector<1024x256xi32>
    %shift_right_logical3A_48 = arith.shrui %bitcast3A_40, %shift_right_logical3A_47 : vector<1024x256xi32>
    %convert_element_type3A_49 = arith.trunci %shift_right_logical3A_48 : vector<1024x256xi32> to vector<1024x256xi16>
    %bitcast3A_50 = tpu.bitcast %convert_element_type3A_49 : vector<1024x256xi16> -> vector<1024x256xbf16>
    %convert_element_type3A_51 = arith.extf %bitcast3A_45 : vector<1024x256xbf16> to vector<1024x256xf32>
    %convert_element_type3A_52 = arith.extf %bitcast3A_50 : vector<1024x256xbf16> to vector<1024x256xf32>
    %add3A = arith.addf %convert_element_type3A_38, %convert_element_type3A_51 : vector<1024x256xf32>
    %add3A_53 = arith.addf %convert_element_type3A_39, %convert_element_type3A_52 : vector<1024x256xf32>
    %concatenate3A = tpu.concatenate %add3A, %add3A_53 in 1 : vector<1024x256xf32>, vector<1024x256xf32> -> vector<1024x512xf32>
    %add3A_54 = arith.addf %dot_general3A_30, %concatenate3A : vector<1024x512xf32>
    %add3A_55 = vector.broadcast %get3A_17 : vector<1x512xf32> to vector<1024x512xf32>
    %add3A_56 = arith.addf %add3A_54, %add3A_55 : vector<1024x512xf32>
    %reduce_sum3A = arith.constant dense<0.000000e+00> : vector<1024xf32>
    %reduce_sum3A_57 = vector.multi_reduction <add>, %add3A_56, %reduce_sum3A [1] : vector<1024x512xf32> to vector<1024xf32>
    %broadcast_in_dim3A = vector.shape_cast %reduce_sum3A_57 : vector<1024xf32> to vector<1024x1xf32>
    %div3A = arith.constant 5.120000e+02 : f32
    %div3A_58 = vector.broadcast %div3A : f32 to vector<1024x1xf32>
    %div3A_59 = arith.divf %broadcast_in_dim3A, %div3A_58 : vector<1024x1xf32>
    %sub3A = vector.broadcast %div3A_59 : vector<1024x1xf32> to vector<1024x512xf32>
    %sub3A_60 = arith.subf %add3A_56, %sub3A : vector<1024x512xf32>
    %integer_pow3A = arith.mulf %sub3A_60, %sub3A_60 : vector<1024x512xf32>
    %reduce_sum3A_61 = arith.constant dense<0.000000e+00> : vector<1024xf32>
    %reduce_sum3A_62 = vector.multi_reduction <add>, %integer_pow3A, %reduce_sum3A_61 [1] : vector<1024x512xf32> to vector<1024xf32>
    %broadcast_in_dim3A_63 = vector.shape_cast %reduce_sum3A_62 : vector<1024xf32> to vector<1024x1xf32>
    %div3A_64 = arith.constant 5.120000e+02 : f32
    %div3A_65 = vector.broadcast %div3A_64 : f32 to vector<1024x1xf32>
    %div3A_66 = arith.divf %broadcast_in_dim3A_63, %div3A_65 : vector<1024x1xf32>
    %sub3A_67 = vector.broadcast %div3A_59 : vector<1024x1xf32> to vector<1024x512xf32>
    %sub3A_68 = arith.subf %add3A_56, %sub3A_67 : vector<1024x512xf32>
    %add3A_69 = arith.constant 9.99999974E-6 : f32
    %add3A_70 = vector.broadcast %add3A_69 : f32 to vector<1024x1xf32>
    %add3A_71 = arith.addf %div3A_66, %add3A_70 : vector<1024x1xf32>
    %rsqrt3A = math.rsqrt %add3A_71 : vector<1024x1xf32>
    %mul3A = vector.broadcast %rsqrt3A : vector<1024x1xf32> to vector<1024x512xf32>
    %mul3A_72 = arith.mulf %sub3A_68, %mul3A : vector<1024x512xf32>
    %mul3A_73 = vector.broadcast %get3A_20 : vector<1x512xf32> to vector<1024x512xf32>
    %mul3A_74 = arith.mulf %mul3A_72, %mul3A_73 : vector<1024x512xf32>
    %add3A_75 = vector.broadcast %get3A_23 : vector<1x512xf32> to vector<1024x512xf32>
    %add3A_76 = arith.addf %mul3A_74, %add3A_75 : vector<1024x512xf32>
    %mul3A_77 = arith.constant 5.000000e-01 : f32
    %mul3A_78 = vector.broadcast %mul3A_77 : f32 to vector<1024x512xf32>
    %mul3A_79 = arith.mulf %add3A_76, %mul3A_78 : vector<1024x512xf32>
    %mul3A_80 = arith.constant 0.707106769 : f32
    %mul3A_81 = vector.broadcast %mul3A_80 : f32 to vector<1024x512xf32>
    %mul3A_82 = arith.mulf %add3A_76, %mul3A_81 : vector<1024x512xf32>
    %erf3A = math.erf %mul3A_82 : vector<1024x512xf32>
    %add3A_83 = arith.constant 1.000000e+00 : f32
    %add3A_84 = vector.broadcast %add3A_83 : f32 to vector<1024x512xf32>
    %add3A_85 = arith.addf %add3A_84, %erf3A : vector<1024x512xf32>
    %mul3A_86 = arith.mulf %mul3A_79, %add3A_85 : vector<1024x512xf32>
    %dot_general3A_87 = arith.constant dense<0.000000e+00> : vector<1024x512xf32>
    %dot_general3A_88 = tpu.matmul %mul3A_86, %get3A_26, %dot_general3A_87 {dimension_numbers = #tpu.dot_dimension_numbers<[1], [0], [0], [1], [0, 0, 1, 1], [], []>, transpose_lhs_hint = false} : vector<1024x512xf32>, vector<512x512xf32>, vector<1024x512xf32> -> vector<1024x512xf32>
    %add3A_89 = vector.broadcast %get3A_29 : vector<1x512xf32> to vector<1024x512xf32>
    %add3A_90 = arith.addf %dot_general3A_88, %add3A_89 : vector<1024x512xf32>
    %swap3A = arith.constant 0 : index
    %swap3A_91 = arith.constant 0 : index
    %swap3A_92 = vector.load %arg10[%swap3A, %swap3A_91] : memref<1024x512xf32, #tpu.memory_space<vmem>>, vector<1024x512xf32>
    tpu.vector_store %arg10[%swap3A, %swap3A_91], %add3A_90 {strides = array<i32>} : memref<1024x512xf32, #tpu.memory_space<vmem>>, vector<1024x512xf32>,
    return
  }
  func.func @transform_1(%arg0: i32) -> (i32, i32, i32) {
    %c0_i32 = arith.constant 0 : i32
    %c0_i32_0 = arith.constant 0 : i32
    %c0_i32_1 = arith.constant 0 : i32
    return %c0_i32, %arg0, %c0_i32_0 : i32, i32, i32
  }
  func.func @transform_2(%arg0: i32) -> (i32, i32) {
    %add3A = arith.constant 8 : i32
    %add3A_0 = arith.addi %arg0, %add3A : i32
    %c0_i32 = arith.constant 0 : i32
    %c0_i32_1 = arith.constant 0 : i32
    return %add3A_0, %c0_i32 : i32, i32
  }
  func.func @transform_3(%arg0: i32) -> (i32, i32) {
    %c1_i32 = arith.constant 1 : i32
    %c0_i32 = arith.constant 0 : i32
    %c0_i32_0 = arith.constant 0 : i32
    return %c1_i32, %c0_i32 : i32, i32
  }
  func.func @transform_4(%arg0: i32) -> (i32, i32) {
    %c0_i32 = arith.constant 0 : i32
    %c0_i32_0 = arith.constant 0 : i32
    %c0_i32_1 = arith.constant 0 : i32
    return %c0_i32, %c0_i32_0 : i32, i32
  }
  func.func @transform_5(%arg0: i32) -> (i32, i32) {
    %c0_i32 = arith.constant 0 : i32
    %c0_i32_0 = arith.constant 0 : i32
    %c0_i32_1 = arith.constant 0 : i32
    return %c0_i32, %c0_i32_0 : i32, i32
  }
  func.func @transform_6(%arg0: i32) -> (i32, i32) {
    %c0_i32 = arith.constant 0 : i32
    %c0_i32_0 = arith.constant 0 : i32
    %c0_i32_1 = arith.constant 0 : i32
    return %c0_i32, %c0_i32_0 : i32, i32
  }
  func.func @transform_7(%arg0: i32) -> (i32, i32) {
    %c0_i32 = arith.constant 0 : i32
    %c0_i32_0 = arith.constant 0 : i32
    %c0_i32_1 = arith.constant 0 : i32
    return %c0_i32, %c0_i32_0 : i32, i32
  }
  func.func @transform_8(%arg0: i32) -> (i32, i32) {
    %c0_i32 = arith.constant 0 : i32
    %c0_i32_0 = arith.constant 0 : i32
    %c0_i32_1 = arith.constant 0 : i32
    return %c0_i32, %c0_i32_0 : i32, i32
  }
  func.func @transform_9(%arg0: i32) -> (i32, i32) {
    %add3A = arith.constant 8 : i32
    %add3A_0 = arith.addi %arg0, %add3A : i32
    %c0_i32 = arith.constant 0 : i32
    %c0_i32_1 = arith.constant 0 : i32
    return %add3A_0, %c0_i32 : i32, i32
  }
}

</mosaic_0001>

<sc_bundles>
// kernel: kernel.10.cloned.1.call-start
scs
__scs_entry_jumppad:
0x0: {  	(pc) =	sbr.rel $0x88, $3  }
0x1: {  	(tag) =	ssettag $0x0;
	lr =	simm.s32 $0x1  }
0x2: {  	[smem:$0x3F98] =	sst lr;
	_ =	strace $0xD0000000  }
0x3: {  	_ = 	snop  }
0x4: {  	_ = 	snop  }
0x5: {  	_ = 	snop  }
0x6: {  	_ = 	snop  }
0x7: {  	_ = 	snop  }
__scs_overlays_trampoline_lowered:
0x8: {  	[smem:$0x3FA7] =	sst s0  }
0x9: {  	[smem:$0x3FA8] =	sst s1  }
0xa: {  	[smem:$0x3FA9] =	sst s2  }
0xb: {  	[smem:$0x3FAA] =	sst s3  }
0xc: {  	[smem:$0x3FAB] =	sst s4  }
0xd: {  	[smem:$0x3FAC] =	sst s5  }
0xe: {  	[smem:$0x3FAD] =	sst s6  }
0xf: {  	[smem:$0x3FAE] =	sst s7  }
0x10: {  	[smem:$0x3FAF] =	sst s8  }
0x11: {  	[smem:$0x3FB0] =	sst s9;
	s0 =	simm.s32 @!p0 $0x0  }
0x12: {  	s1 =	sld [smem:$0x3F96];
	s0 =	simm.s32 @p0 $0x1  }
0x13: {  	[smem:$0x3FB1] =	sst s0;
	s0 =	simm.s32 @!p1 $0x0  }
0x14: {  	s2 =	sld [smem:$0x3F95];
	s0 =	simm.s32 @p1 $0x1  }
0x15: {  	[smem:$0x3FB2] =	sst s0;
	s0 =	simm.s32 @!p2 $0x0  }
0x16: {  	s3 =	sld [smem:$0x3FDB];
	s0 =	simm.s32 @p2 $0x1  }
0x17: {  	s4 =	simm.s32 $0x1BF5;
	[smem:$0x3FB4] =	sst s0  }
0x18: {  	s0 =	sld [smem:$0x3F97];
	_ =	swait.ge [sflag:s4], $0x0  }
0x19: {  	s7 =	sld [smem:$0x3F98]  }
0x1a: {  	s8 =	sadd.s32 $0xFFFFE003, lr  }
0x1b: {  	s9 =	sadd.s32 $0xFFFFFEF7, lr;
	s5 =	simm.s32 $0xFFFFFFFF;
	p2 =	slt.u32 s8, $0xFFFFF086  }
0x1c: {  	p1 =	slt.u32 s9, $0xF7A;
	s5 =	simm.s32 @!p2 $0x0  }
0x1d: {  	s5 =	simm.s32 @p1 $0x1;
	p0 =	seq.s32 s7, s2  }
0x1e: {  	s7 =	smul.u32 @!p0 $0xF7A, s2;
	p2 =	seq.s32 @!p0 s5, $0x0  }
0x1f: {  	s9 =	smul.u32 $0xF7A, s1;
	s8 =	simm.s32 @!p0 $0x1BF5;
	p2 =	por !p2, p0  }
0x20: {  	[sflag:s8] =	ssyncset.s32 @!p0 $0xFFFFF086;
	s6 =	sadd.s32 @!p0 s3, s7;
	s7 =	simm.s32 @!p0 $0x108  }
0x21: {  	s3 =	sadd.s32 s3, s9;
	s6 =	sadd.s32 @!p0 $0x88, s6;
	s7 =	simm.s32 @p2 $0x1082  }
0x22: {  	[simem:s7], [sflag:s8] =	dma.local @!p0 [hbm:s6], $0xF7A  }
0x23: {  	s9 =	sor.u32 $0xD0000000, s2;
	s6 =	simm.s32 $0x108;
	_ =	swait.ge @!p0 [sflag:s8], $0x0  }
0x24: {  	s3 =	sadd.s32 $0x88, s3;
	s6 =	simm.s32 @!p1 $0x1082;
	[sflag:s4] =	ssyncset.s32 $0xFFFFF086  }
0x25: {  	[simem:s6], [sflag:s4] =	dma.local [hbm:s3], $0xF7A  }
0x26: {  	[smem:$0x3F98] =	sst s1;
	(tag) =	ssettag s2;
	_ =	strace s9  }
0x27: {  	s1 =	sld [smem:$0x3FA8]  }
0x28: {  	s2 =	sld [smem:$0x3FA9]  }
0x29: {  	s4 =	sld [smem:$0x3FAB]  }
0x2a: {  	p0 =	seq.s32 s5, $0x0;
	s5 =	sld [smem:$0x3FAC]  }
0x2b: {  	s6 =	sld [smem:$0x3FAD]  }
0x2c: {  	s7 =	sld [smem:$0x3FAE]  }
0x2d: {  	s3 =	simm.s32 $0x108;
	s8 =	sld [smem:$0x3FAF]  }
0x2e: {  	s3 =	simm.s32 @!p0 $0x1082;
	s9 =	sld [smem:$0x3FB0]  }
0x2f: {  	lr =	sadd.s32 s0, s3;
	s0 =	sld [smem:$0x3FA7]  }
0x30: {  	s3 =	sld [smem:$0x3FAA]  }
0x31: {  	[smem:$0x3FB3] =	sst s10  }
0x32: {  	s10 =	sld [smem:$0x3FB1];
	_ =	sdelay $0x3  }
0x33: {  	p0 =	seq.s32 s10, $0x1;
	s10 =	sld [smem:$0x3FB3];
	_ =	sdelay $0x3  }
0x34: {  	[smem:$0x3FB3] =	sst s10  }
0x35: {  	s10 =	sld [smem:$0x3FB2];
	_ =	sdelay $0x3  }
0x36: {  	p1 =	seq.s32 s10, $0x1;
	s10 =	sld [smem:$0x3FB3];
	_ =	sdelay $0x3  }
0x37: {  	[smem:$0x3FB3] =	sst s10  }
0x38: {  	s10 =	sld [smem:$0x3FB4]  }
0x39: {  	_ = 	snop;
	(pc) =	sbr.ind lr, $3  }
0x3a: {  	_ = 	snop  }
0x3b: {  	_ = 	snop  }
0x3c: {  	p2 =	seq.s32 s10, $0x1;
	s10 =	sld [smem:$0x3FB3]  }
0x3d: {  	_ =	shalt  }
0x3e: {  	_ =	shalt  }
0x3f: {  	_ =	shalt  }
0x40: {  	_ =	shalt  }
0x41: {  	_ =	shalt  }
0x42: {  	_ =	shalt  }
0x43: {  	_ =	shalt  }
0x44: {  	_ =	shalt  }
0x45: {  	_ =	shalt  }
0x46: {  	_ =	shalt  }
0x47: {  	_ =	shalt  }
0x48: {  	_ =	shalt  }
0x49: {  	_ =	shalt  }
0x4a: {  	_ =	shalt  }
0x4b: {  	_ =	shalt  }
0x4c: {  	_ =	shalt  }
0x4d: {  	_ =	shalt  }
0x4e: {  	_ =	shalt  }
0x4f: {  	_ =	shalt  }
0x50: {  	_ =	shalt  }
0x51: {  	_ =	shalt  }
0x52: {  	_ =	shalt  }
0x53: {  	_ =	shalt  }
0x54: {  	_ =	shalt  }
0x55: {  	_ =	shalt  }
0x56: {  	_ =	shalt  }
0x57: {  	_ =	shalt  }
0x58: {  	_ =	shalt  }
0x59: {  	_ =	shalt  }
0x5a: {  	_ =	shalt  }
0x5b: {  	_ =	shalt  }
0x5c: {  	_ =	shalt  }
0x5d: {  	_ =	shalt  }
0x5e: {  	_ =	shalt  }
0x5f: {  	_ =	shalt  }
0x60: {  	_ =	shalt  }
0x61: {  	_ =	shalt  }
0x62: {  	_ =	shalt  }
0x63: {  	_ =	shalt  }
0x64: {  	_ =	shalt  }
0x65: {  	_ =	shalt  }
0x66: {  	_ =	shalt  }
0x67: {  	_ =	shalt  }
0x68: {  	_ =	shalt  }
0x69: {  	_ =	shalt  }
0x6a: {  	_ =	shalt  }
0x6b: {  	_ =	shalt  }
0x6c: {  	_ =	shalt  }
0x6d: {  	_ =	shalt  }
0x6e: {  	_ =	shalt  }
0x6f: {  	_ =	shalt  }
0x70: {  	_ =	shalt  }
0x71: {  	_ =	shalt  }
0x72: {  	_ =	shalt  }
0x73: {  	_ =	shalt  }
0x74: {  	_ =	shalt  }
0x75: {  	_ =	shalt  }
0x76: {  	_ =	shalt  }
0x77: {  	_ =	shalt  }
0x78: {  	_ =	shalt  }
0x79: {  	_ =	shalt  }
0x7a: {  	_ =	shalt  }
0x7b: {  	_ =	shalt  }
0x7c: {  	_ =	shalt  }
0x7d: {  	_ =	shalt  }
0x7e: {  	_ =	shalt  }
0x7f: {  	_ =	shalt  }
0x80: {  	_ =	shalt  }
0x81: {  	_ =	shalt  }
0x82: {  	_ =	shalt  }
0x83: {  	_ =	shalt  }
0x84: {  	_ =	shalt  }
0x85: {  	_ =	shalt  }
0x86: {  	_ =	shalt  }
0x87: {  	_ =	shalt  }
.Lfunc_end0:
.L_simem_size_0:
called_computation.1_lowered:
.L_overlay_start_0:
0x88: {  	s2 =	sld [smem:$0x3FD9]  }
0x89: {  	s3 =	sld [smem:$0x3FFE];
	_ =	sdelay $0x1  }
0x8a: {  	s1 =	srdreg.scid  }
0x8b: {  	s0 =	sand.u32 $0x1, s1  }
0x8c: {  	s17 =	sshll.u32 s0, $0xA;
	s2 =	sadd.s32 s3, s2  }
0x8d: {  	s2 =	sadd.s32 s2, s17  }
0x8e: {  	[smem:$0x3FBF] =	sst s2  }
0x8f: {  	_ = 	snop  }
0x90: {  	(tm) =	ssettm $0x1  }
0x91: {  	s18 =	sld [smem:$0x3FFB];
	_ =	sdelay $0x3  }
0x92: {  	_ =	strace s18  }
0x93: {  	s2 =	sld [smem:$0x3FFC];
	_ =	sdelay $0x3  }
0x94: {  	_ =	strace s2  }
0x95: {  	s2 =	sld [smem:$0x3FFD];
	_ =	sdelay $0x3  }
0x96: {  	_ =	strace s2  }
0x97: {  	_ =	strace $0x8FFFFFFF  }
0x98: {  	s19 =	sld [smem:$0x3FDB];
	_ =	sdelay $0x1  }
0x99: {  	s20 =	simm.s32 $_scs_section_size  }
0x9a: {  	s4 =	simm.s32 $_size__tile_overlayer_lowered;
	s5 =	simm.s32 $_tile_overlayer_lowered  }
0x9b: {  	s6 =	simm.s32 $0x1BFF;
	s21 =	sshll.u32 s5, $0x1;
	s3 =	sadd.s32 s20, s19  }
0x9c: {  	s22 =	simm.s32 $0x0;
	s4 =	sshll.u32 s4, $0x1;
	s5 =	sadd.s32 s21, s3  }
0x9d: {  	[timem:s22], [sflag:s6] =	dma.local [hbm:s5], s4  }
0x9e: {  	_ =	swait.ge [sflag:s6], s4  }
0x9f: {  	s4 =	ssub.s32 $0x0, s4;
	[sflag:s6] =	ssyncset.done $0x0  }
0xa0: {  	[sflag:s6] =	ssyncadd.s32 s4;
	_ =	sdelay $0x1  }
0xa1: {  	s23 =	simm.s32 $0x1B8B  }
0xa2: {  	_ =	swait.ge [sflag:s23], $0x1  }
0xa3: {  	[sflag:s23] =	ssyncset.done $0x0  }
0xa4: {  	[sflag:s23] =	ssyncadd.s32 $0xFFFFFFFF  }
0xa5: {  	s4 =	sld [smem:$0x0]  }
0xa6: {  	s5 =	sand.u32 $0xFFFFFFFE, s1  }
0xa7: {  	p0 =	sne.s32 s1, s5  }
0xa8: {  	s5 =	sshll.u32 @p0 s5, $0xE  }
0xa9: {  	s5 =	sadd.s32 @p0 $0x11B8D, s5;
	s6 =	sshll.u32 @p0 s4, $0x11  }
0xaa: {  	s5 =	sor.u32 @p0 s6, s5  }
0xab: {  	[sflag:s5] =	ssyncadd.remote.s32 @p0 $0x1;
	_ =	sdelay $0x1  }
0xac: {  	s5 =	simm.s32 @p0 $0x1B8D  }
0xad: {  	_ =	swait.eq @p0 [sflag:s5], $0x1  }
0xae: {  	[sflag:s5] =	ssyncadd.s32 @p0 $0xFFFFFFFF  }
0xaf: {  	s6 =	sshll.u32 @!p0 s1, $0xE  }
0xb0: {  	s6 =	sor.u32 @!p0 $0x4000, s6;
	s5 =	simm.s32 @!p0 $0x1B8D  }
0xb1: {  	s4 =	sshll.u32 @!p0 s4, $0x11;
	s6 =	sadd.s32 @!p0 $0x11B8D, s6;
	_ =	swait.eq @!p0 [sflag:s5], $0x1  }
0xb2: {  	s4 =	sor.u32 @!p0 s4, s6;
	[sflag:s5] =	ssyncadd.s32 @!p0 $0xFFFFFFFF  }
0xb3: {  	s25 =	simm.s32 $0x1B8E;
	s24 =	sld [smem:$0x3FFE];
	[sflag:s4] =	ssyncadd.remote.s32 @!p0 $0x1  }
0xb4: {  	s26 =	simm.s32 $execute0_lowered;
	[smem:$0x3FD2] =	sst s25  }
0xb5: {  	s5 =	sshll.u32 s26, $0x1;
	_ =	strace $0x80000049;
	[dreg:$0x1] =	wrdreg $0xFFFFFFFF  }
0xb6: {  	s28 =	simm.s32 $_size_execute0_lowered;
	s3 =	sadd.s32 s3, s5;
	[dreg:$0x0] =	wrdreg $0x0  }
0xb7: {  	s5 =	sshll.u32 s28, $0x1;
	[dreg:$0x2] =	wrdreg s3  }
0xb8: {  	[dreg:$0x3] =	wrdreg s5  }
0xb9: {  	[dreg:$0x4] =	wrdreg $0xC0  }
0xba: {  	_ =	task [dreg:s22], $0x5FFFF  }
0xbb: {  	[dreg:$0x1] =	wrdreg $0xFFFFFFFF  }
0xbc: {  	[dreg:$0x0] =	wrdreg $0x60  }
0xbd: {  	[dreg:$0x2] =	wrdreg s24  }
0xbe: {  	[dreg:$0x3] =	wrdreg $0xA  }
0xbf: {  	_ =	task.clear_ibuf [dreg:s22], $0x4FFFF;
	_ =	strace $0x90000049  }
0xc0: {  	s29 =	simm.s32 $0xA;
	_ =	strace $0x8000004B  }
0xc1: {  	_ =	swait.ge [sflag:s29], $0x1  }
0xc2: {  	[sflag:s29] =	ssyncadd.s32 $0xFFFFFFFF  }
0xc3: {  	_ =	strace $0x9000004B  }
0xc4: {  	_ =	sfence  }
0xc5: {  	s30 =	sld [smem:$0x0];
	_ =	sdelay $0x2  }
0xc6: {  	s31 =	sshll.u32 s1, $0xD;
	s1 =	sshrl.u32 s1, $0x2  }
0xc7: {  	s4 =	sand.u32 $0x4000, s31;
	s1 =	sadd.s32 s1, s30  }
0xc8: {  	s0 =	sor.u32 s4, s0;
	s1 =	sshll.u32 s1, $0x11  }
0xc9: {  	s0 =	sor.u32 s1, s0  }
0xca: {  	s0 =	sadd.s32 $0x8F2B, s0  }
0xcb: {  	[sflag:s0] =	ssyncadd.remote.s32 $0x1  }
0xcc: {  	_ =	sfence.sel $0xFFFF  }
0xcd: {  	[dreg:$0x0] =	wrdreg $0xFFFFFFFF;
	(pc) =	sbr.abs _section_cstart, $3  }
0xce: {  	[dreg:$0x1] =	wrdreg $0xFFFFFFFF  }
0xcf: {  	_ =	task.clear_ibuf [dreg:s22], $0x2FFFF;
	_ =	strace $0x9FFFFFFF  }
0xd0: {  	(tm) =	ssettm $0x7FFFFFFF  }
0xd1: {  	_ =	shalt  }
tec
execute0_lowered:
.L_overlay_start_1:
0x0: {  	(tag) =	ssettag $0x1  }
0x1: {  	s0 =	srdreg.scid  }
0x2: {  	s1 =	stileid.u32;
	s3 =	rddreg [dreg:$0x0];
	s12 =	simm.s32 $0x1  }
0x3: {  	s13 =	simm.s32 $0x2;
	s15 =	simm.s32 $0xA00;
	s16 =	simm.s32 $0x1200  }
0x4: {  	s17 =	simm.s32 $0x1A00;
	s18 =	simm.s32 $0x2200;
	s19 =	simm.s32 $0x2A00  }
0x5: {  	s20 =	simm.s32 $0x3200;
	s21 =	simm.s32 $0x3A00;
	s23 =	simm.s32 $0x4200  }
0x6: {  	s28 =	simm.s32 $0x6200;
	s29 =	simm.s32 $0x6A00;
	s30 =	simm.s32 $0x7200  }
0x7: {  	s31 =	simm.s32 $0x7A00;
	s22 =	simm.s32 $0x9200;
	s7 =	simm.s32 $0x9A00  }
0x8: {  	s8 =	simm.s32 $0xA200;
	s9 =	simm.s32 $0xAA00;
	s0 =	sand.u32 $0x1, s0  }
0x9: {  	s10 =	simm.s32 $0xB200;
	s1 =	sshll.u32 s1, $0xA;
	s2 =	sshll.u32 s0, $0x9  }
0xa: {  	s11 =	simm.s32 $0xBA00;
	s6 =	simm.s32 $0xCA00;
	s1 =	sor.u32 s2, s1  }
0xb: {  	s0 =	ssub.s32 $0x2, s0;
	s2 =	simm.s32 $0x0;
	s4 =	sshrl.u32 s1, $0x3  }
0xc: {  	s5 =	sshrl.u32 s0, $0x1;
	s1 =	sshll.u32 s1, $0x5;
	s4 =	sadd.s32 s4, s3  }
0xd: {  	[smem:$0x7FF] =	sst s2;
	s1 =	sadd.s32 s1, s3;
	s4 =	sadd.s32 $0x41E00, s4  }
0xe: {  	_ =	strace $0x8000004A;
	s24 =	sadd.s32 $0x42600, s1;
	[dreg:$0x2] =	wrdreg s4  }
0xf: {  	s0 =	ssub.s32 s0, s5;
	s25 =	sadd.s32 $0x43600, s1;
	[dreg:$0x3] =	wrdreg s24  }
0x10: {  	s5 =	simm.s32 $0xC200;
	s26 =	sadd.s32 $0x44600, s1;
	[dreg:$0x4] =	wrdreg s25  }
0x11: {  	v2 =	vlaneseq.u32;
	s3 =	sadd.s32 $0x1E00, s3;
	s1 =	sadd.s32 $0x45600, s1;
	[dreg:$0x5] =	wrdreg s26  }
0x12: {  	vm0 =	vmmov $0xffff;
	v1 =	vshrl.u32 v2, $0x3;
	[dreg:$0x6] =	wrdreg s1;
	s4 =	smax.u32 s0, $0x1;
	s24 =	simm.s32 $0x4A00  }
0x13: {  	v0 =	vand.u32 $0x7, v2;
	v2 =	vor.u32 $0x8, v2;
	v1 =	vmul.u32 $0x8, v1;
	s25 =	simm.s32 $0x5200;
	s26 =	simm.s32 $0x5A00;
	s1 =	simm.s32 $0x8200  }
.LBB2_1:
0x14: {  	s14 =	rddreg [dreg:$0x2];
	s0 =	simm.s32 $0x3  }
0x15: {  	[tilespmem:s2], [sflag:$0x3] =	stream.linear.gather [hbm4b:s14+s2], $0x200, $0x38;
	[tilespmem:$0x10200] =	vst v63  }
0x16: {  	_ =	swait.ge [sflag:s0], $0x200  }
0x17: {  	[sflag:s0] =	ssyncset.done $0x0  }
0x18: {  	[sflag:s0] =	ssyncadd.s32 $0xFFFFFE00  }
0x19: {  	v3 =	vld [tilespmem:$0x0];
	_ =	sdelay $0x4  }
0x1a: {  	v4 =	vshll.u32 v3, $0x1  }
0x1b: {  	v3 =	vand.u32 $0x7, v3;
	v4 =	vand.u32 $0xFFFFFFF0, v4  }
0x1c: {  	v3 =	vor.u32 v3, v4  }
0x1d: {  	v4 =	vperm.xlane v3, v0;
	_ =	sdelay $0x1  }
0x1e: {  	v3 =	vperm.xlane v3, v2;
	v4 =	vadd.s32 v1, v4;
	_ =	sdelay $0x1  }
0x1f: {  	v3 =	vadd.s32 v1, v3;
	_ =	sdelay $0x1  }
0x20: {  	s14 =	simm.s32 $0x200  }
0x21: {  	[tilespmem:s14], [sflag:$0x1] =	stream.indirect_vreg.gather [hbm4b:s3+s2], $0x80, v4, vm0, $0xb8;
	[tilespmem:$0x10200] =	vst v63  }
0x22: {  	_ = 	snop  }
0x23: {  	[tilespmem:s15], [sflag:$0x1] =	stream.indirect_vreg.gather [hbm4b:s3+s2], $0x80, v3, vm0, $0xb8;
	[tilespmem:$0x10200] =	vst v63  }
0x24: {  	v3 =	vld [tilespmem:$0x10];
	_ =	sdelay $0x4  }
0x25: {  	v33 =	vshll.u32 v3, $0x1  }
0x26: {  	v3 =	vand.u32 $0x7, v3;
	v4 =	vand.u32 $0xFFFFFFF0, v33  }
0x27: {  	v3 =	vor.u32 v3, v4  }
0x28: {  	v4 =	vperm.xlane v3, v0;
	_ =	sdelay $0x1  }
0x29: {  	v3 =	vperm.xlane v3, v2;
	v4 =	vadd.s32 v1, v4;
	_ =	sdelay $0x1  }
0x2a: {  	v3 =	vadd.s32 v1, v3;
	_ =	sdelay $0x2  }
0x2b: {  	[tilespmem:s16], [sflag:$0x1] =	stream.indirect_vreg.gather [hbm4b:s3+s2], $0x80, v4, vm0, $0xb8;
	[tilespmem:$0x10200] =	vst v63  }
0x2c: {  	_ = 	snop  }
0x2d: {  	[tilespmem:s17], [sflag:$0x1] =	stream.indirect_vreg.gather [hbm4b:s3+s2], $0x80, v3, vm0, $0xb8;
	[tilespmem:$0x10200] =	vst v63  }
0x2e: {  	v3 =	vld [tilespmem:$0x20];
	_ =	sdelay $0x4  }
0x2f: {  	v34 =	vshll.u32 v3, $0x1  }
0x30: {  	v3 =	vand.u32 $0x7, v3;
	v4 =	vand.u32 $0xFFFFFFF0, v34  }
0x31: {  	v3 =	vor.u32 v3, v4  }
0x32: {  	v4 =	vperm.xlane v3, v0;
	_ =	sdelay $0x1  }
0x33: {  	v3 =	vperm.xlane v3, v2;
	v4 =	vadd.s32 v1, v4;
	_ =	sdelay $0x1  }
0x34: {  	v3 =	vadd.s32 v1, v3;
	_ =	sdelay $0x2  }
0x35: {  	[tilespmem:s18], [sflag:$0x1] =	stream.indirect_vreg.gather [hbm4b:s3+s2], $0x80, v4, vm0, $0xb8;
	[tilespmem:$0x10200] =	vst v63  }
0x36: {  	_ = 	snop  }
0x37: {  	[tilespmem:s19], [sflag:$0x1] =	stream.indirect_vreg.gather [hbm4b:s3+s2], $0x80, v3, vm0, $0xb8;
	[tilespmem:$0x10200] =	vst v63  }
0x38: {  	v3 =	vld [tilespmem:$0x30];
	_ =	sdelay $0x4  }
0x39: {  	v35 =	vshll.u32 v3, $0x1  }
0x3a: {  	v3 =	vand.u32 $0x7, v3;
	v4 =	vand.u32 $0xFFFFFFF0, v35  }
0x3b: {  	v3 =	vor.u32 v3, v4  }
0x3c: {  	v4 =	vperm.xlane v3, v0;
	_ =	sdelay $0x1  }
0x3d: {  	v3 =	vperm.xlane v3, v2;
	v4 =	vadd.s32 v1, v4;
	_ =	sdelay $0x1  }
0x3e: {  	v3 =	vadd.s32 v1, v3;
	_ =	sdelay $0x2  }
0x3f: {  	[tilespmem:s20], [sflag:$0x1] =	stream.indirect_vreg.gather [hbm4b:s3+s2], $0x80, v4, vm0, $0xb8;
	[tilespmem:$0x10200] =	vst v63  }
0x40: {  	_ = 	snop  }
0x41: {  	[tilespmem:s21], [sflag:$0x1] =	stream.indirect_vreg.gather [hbm4b:s3+s2], $0x80, v3, vm0, $0xb8;
	[tilespmem:$0x10200] =	vst v63  }
0x42: {  	v3 =	vld [tilespmem:$0x40];
	_ =	sdelay $0x4  }
0x43: {  	v36 =	vshll.u32 v3, $0x1  }
0x44: {  	v3 =	vand.u32 $0x7, v3;
	v4 =	vand.u32 $0xFFFFFFF0, v36  }
0x45: {  	v3 =	vor.u32 v3, v4  }
0x46: {  	v4 =	vperm.xlane v3, v0;
	_ =	sdelay $0x1  }
0x47: {  	v3 =	vperm.xlane v3, v2;
	v4 =	vadd.s32 v1, v4;
	_ =	sdelay $0x1  }
0x48: {  	v3 =	vadd.s32 v1, v3;
	_ =	sdelay $0x2  }
0x49: {  	[tilespmem:s23], [sflag:$0x1] =	stream.indirect_vreg.gather [hbm4b:s3+s2], $0x80, v4, vm0, $0xb8;
	[tilespmem:$0x10200] =	vst v63  }
0x4a: {  	_ = 	snop  }
0x4b: {  	[tilespmem:s24], [sflag:$0x1] =	stream.indirect_vreg.gather [hbm4b:s3+s2], $0x80, v3, vm0, $0xb8;
	[tilespmem:$0x10200] =	vst v63  }
0x4c: {  	v3 =	vld [tilespmem:$0x50];
	_ =	sdelay $0x4  }
0x4d: {  	v37 =	vshll.u32 v3, $0x1  }
0x4e: {  	v3 =	vand.u32 $0x7, v3;
	v4 =	vand.u32 $0xFFFFFFF0, v37  }
0x4f: {  	v3 =	vor.u32 v3, v4  }
0x50: {  	v4 =	vperm.xlane v3, v0;
	_ =	sdelay $0x1  }
0x51: {  	v3 =	vperm.xlane v3, v2;
	v4 =	vadd.s32 v1, v4;
	_ =	sdelay $0x1  }
0x52: {  	v3 =	vadd.s32 v1, v3;
	_ =	sdelay $0x2  }
0x53: {  	[tilespmem:s25], [sflag:$0x1] =	stream.indirect_vreg.gather [hbm4b:s3+s2], $0x80, v4, vm0, $0xb8;
	[tilespmem:$0x10200] =	vst v63  }
0x54: {  	_ = 	snop  }
0x55: {  	[tilespmem:s26], [sflag:$0x1] =	stream.indirect_vreg.gather [hbm4b:s3+s2], $0x80, v3, vm0, $0xb8;
	[tilespmem:$0x10200] =	vst v63  }
0x56: {  	v3 =	vld [tilespmem:$0x60];
	_ =	sdelay $0x4  }
0x57: {  	v38 =	vshll.u32 v3, $0x1  }
0x58: {  	v3 =	vand.u32 $0x7, v3;
	v4 =	vand.u32 $0xFFFFFFF0, v38  }
0x59: {  	v3 =	vor.u32 v3, v4  }
0x5a: {  	v4 =	vperm.xlane v3, v0;
	_ =	sdelay $0x1  }
0x5b: {  	v3 =	vperm.xlane v3, v2;
	v4 =	vadd.s32 v1, v4;
	_ =	sdelay $0x1  }
0x5c: {  	v3 =	vadd.s32 v1, v3;
	_ =	sdelay $0x2  }
0x5d: {  	[tilespmem:s28], [sflag:$0x1] =	stream.indirect_vreg.gather [hbm4b:s3+s2], $0x80, v4, vm0, $0xb8;
	[tilespmem:$0x10200] =	vst v63  }
0x5e: {  	_ = 	snop  }
0x5f: {  	[tilespmem:s29], [sflag:$0x1] =	stream.indirect_vreg.gather [hbm4b:s3+s2], $0x80, v3, vm0, $0xb8;
	[tilespmem:$0x10200] =	vst v63  }
0x60: {  	v3 =	vld [tilespmem:$0x70];
	_ =	sdelay $0x4  }
0x61: {  	v39 =	vshll.u32 v3, $0x1  }
0x62: {  	v3 =	vand.u32 $0x7, v3;
	v4 =	vand.u32 $0xFFFFFFF0, v39  }
0x63: {  	v3 =	vor.u32 v3, v4  }
0x64: {  	v4 =	vperm.xlane v3, v0;
	_ =	sdelay $0x1  }
0x65: {  	v3 =	vperm.xlane v3, v2;
	v4 =	vadd.s32 v1, v4;
	_ =	sdelay $0x1  }
0x66: {  	v3 =	vadd.s32 v1, v3;
	_ =	sdelay $0x2  }
0x67: {  	[tilespmem:s30], [sflag:$0x1] =	stream.indirect_vreg.gather [hbm4b:s3+s2], $0x80, v4, vm0, $0xb8;
	[tilespmem:$0x10200] =	vst v63  }
0x68: {  	_ = 	snop  }
0x69: {  	[tilespmem:s31], [sflag:$0x1] =	stream.indirect_vreg.gather [hbm4b:s3+s2], $0x80, v3, vm0, $0xb8;
	[tilespmem:$0x10200] =	vst v63  }
0x6a: {  	v3 =	vld [tilespmem:$0x80];
	_ =	sdelay $0x4  }
0x6b: {  	v40 =	vshll.u32 v3, $0x1  }
0x6c: {  	v3 =	vand.u32 $0x7, v3;
	v4 =	vand.u32 $0xFFFFFFF0, v40  }
0x6d: {  	v3 =	vor.u32 v3, v4  }
0x6e: {  	v4 =	vperm.xlane v3, v0;
	_ =	sdelay $0x1  }
0x6f: {  	v3 =	vperm.xlane v3, v2;
	v4 =	vadd.s32 v1, v4;
	_ =	sdelay $0x1  }
0x70: {  	v3 =	vadd.s32 v1, v3;
	_ =	sdelay $0x2  }
0x71: {  	[tilespmem:s1], [sflag:$0x1] =	stream.indirect_vreg.gather [hbm4b:s3+s2], $0x80, v4, vm0, $0xb8;
	[tilespmem:$0x10200] =	vst v63  }
0x72: {  	s14 =	simm.s32 $0x8A00  }
0x73: {  	[tilespmem:s14], [sflag:$0x1] =	stream.indirect_vreg.gather [hbm4b:s3+s2], $0x80, v3, vm0, $0xb8;
	[tilespmem:$0x10200] =	vst v63  }
0x74: {  	v3 =	vld [tilespmem:$0x90];
	_ =	sdelay $0x4  }
0x75: {  	v41 =	vshll.u32 v3, $0x1  }
0x76: {  	v3 =	vand.u32 $0x7, v3;
	v4 =	vand.u32 $0xFFFFFFF0, v41  }
0x77: {  	v3 =	vor.u32 v3, v4  }
0x78: {  	v4 =	vperm.xlane v3, v0;
	_ =	sdelay $0x1  }
0x79: {  	v3 =	vperm.xlane v3, v2;
	v4 =	vadd.s32 v1, v4;
	_ =	sdelay $0x1  }
0x7a: {  	v3 =	vadd.s32 v1, v3;
	_ =	sdelay $0x2  }
0x7b: {  	[tilespmem:s22], [sflag:$0x1] =	stream.indirect_vreg.gather [hbm4b:s3+s2], $0x80, v4, vm0, $0xb8;
	[tilespmem:$0x10200] =	vst v63  }
0x7c: {  	_ = 	snop  }
0x7d: {  	[tilespmem:s7], [sflag:$0x1] =	stream.indirect_vreg.gather [hbm4b:s3+s2], $0x80, v3, vm0, $0xb8;
	[tilespmem:$0x10200] =	vst v63  }
0x7e: {  	v3 =	vld [tilespmem:$0xA0];
	_ =	sdelay $0x4  }
0x7f: {  	v42 =	vshll.u32 v3, $0x1  }
0x80: {  	v3 =	vand.u32 $0x7, v3;
	v4 =	vand.u32 $0xFFFFFFF0, v42  }
0x81: {  	v3 =	vor.u32 v3, v4  }
0x82: {  	v4 =	vperm.xlane v3, v0;
	_ =	sdelay $0x1  }
0x83: {  	v3 =	vperm.xlane v3, v2;
	v4 =	vadd.s32 v1, v4;
	_ =	sdelay $0x1  }
0x84: {  	v3 =	vadd.s32 v1, v3;
	_ =	sdelay $0x2  }
0x85: {  	[tilespmem:s8], [sflag:$0x1] =	stream.indirect_vreg.gather [hbm4b:s3+s2], $0x80, v4, vm0, $0xb8;
	[tilespmem:$0x10200] =	vst v63  }
0x86: {  	_ = 	snop  }
0x87: {  	[tilespmem:s9], [sflag:$0x1] =	stream.indirect_vreg.gather [hbm4b:s3+s2], $0x80, v3, vm0, $0xb8;
	[tilespmem:$0x10200] =	vst v63  }
0x88: {  	v3 =	vld [tilespmem:$0xB0];
	_ =	sdelay $0x4  }
0x89: {  	v43 =	vshll.u32 v3, $0x1  }
0x8a: {  	v3 =	vand.u32 $0x7, v3;
	v4 =	vand.u32 $0xFFFFFFF0, v43  }
0x8b: {  	v3 =	vor.u32 v3, v4  }
0x8c: {  	v4 =	vperm.xlane v3, v0;
	_ =	sdelay $0x1  }
0x8d: {  	v3 =	vperm.xlane v3, v2;
	v4 =	vadd.s32 v1, v4;
	_ =	sdelay $0x1  }
0x8e: {  	v3 =	vadd.s32 v1, v3;
	_ =	sdelay $0x2  }
0x8f: {  	[tilespmem:s10], [sflag:$0x1] =	stream.indirect_vreg.gather [hbm4b:s3+s2], $0x80, v4, vm0, $0xb8;
	[tilespmem:$0x10200] =	vst v63  }
0x90: {  	_ = 	snop  }
0x91: {  	[tilespmem:s11], [sflag:$0x1] =	stream.indirect_vreg.gather [hbm4b:s3+s2], $0x80, v3, vm0, $0xb8;
	[tilespmem:$0x10200] =	vst v63  }
0x92: {  	v3 =	vld [tilespmem:$0xC0];
	_ =	sdelay $0x4  }
0x93: {  	v44 =	vshll.u32 v3, $0x1  }
0x94: {  	v3 =	vand.u32 $0x7, v3;
	v4 =	vand.u32 $0xFFFFFFF0, v44  }
0x95: {  	v3 =	vor.u32 v3, v4  }
0x96: {  	v4 =	vperm.xlane v3, v0;
	_ =	sdelay $0x1  }
0x97: {  	v3 =	vperm.xlane v3, v2;
	v4 =	vadd.s32 v1, v4;
	_ =	sdelay $0x1  }
0x98: {  	v3 =	vadd.s32 v1, v3;
	_ =	sdelay $0x2  }
0x99: {  	[tilespmem:s5], [sflag:$0x1] =	stream.indirect_vreg.gather [hbm4b:s3+s2], $0x80, v4, vm0, $0xb8;
	[tilespmem:$0x10200] =	vst v63  }
0x9a: {  	_ = 	snop  }
0x9b: {  	[tilespmem:s6], [sflag:$0x1] =	stream.indirect_vreg.gather [hbm4b:s3+s2], $0x80, v3, vm0, $0xb8;
	[tilespmem:$0x10200] =	vst v63  }
0x9c: {  	v3 =	vld [tilespmem:$0xD0];
	_ =	sdelay $0x4  }
0x9d: {  	v45 =	vshll.u32 v3, $0x1  }
0x9e: {  	v3 =	vand.u32 $0x7, v3;
	v4 =	vand.u32 $0xFFFFFFF0, v45  }
0x9f: {  	v3 =	vor.u32 v3, v4  }
0xa0: {  	v4 =	vperm.xlane v3, v0;
	_ =	sdelay $0x1  }
0xa1: {  	v3 =	vperm.xlane v3, v2;
	v4 =	vadd.s32 v1, v4;
	_ =	sdelay $0x1  }
0xa2: {  	v3 =	vadd.s32 v1, v3;
	_ =	sdelay $0x1  }
0xa3: {  	s14 =	simm.s32 $0xD200  }
0xa4: {  	[tilespmem:s14], [sflag:$0x1] =	stream.indirect_vreg.gather [hbm4b:s3+s2], $0x80, v4, vm0, $0xb8;
	[tilespmem:$0x10200] =	vst v63  }
0xa5: {  	s14 =	simm.s32 $0xDA00  }
0xa6: {  	[tilespmem:s14], [sflag:$0x1] =	stream.indirect_vreg.gather [hbm4b:s3+s2], $0x80, v3, vm0, $0xb8;
	[tilespmem:$0x10200] =	vst v63  }
0xa7: {  	v3 =	vld [tilespmem:$0xE0];
	_ =	sdelay $0x4  }
0xa8: {  	v46 =	vshll.u32 v3, $0x1  }
0xa9: {  	v3 =	vand.u32 $0x7, v3;
	v4 =	vand.u32 $0xFFFFFFF0, v46  }
0xaa: {  	v3 =	vor.u32 v3, v4  }
0xab: {  	v4 =	vperm.xlane v3, v0;
	_ =	sdelay $0x1  }
0xac: {  	v3 =	vperm.xlane v3, v2;
	v4 =	vadd.s32 v1, v4;
	_ =	sdelay $0x1  }
0xad: {  	v3 =	vadd.s32 v1, v3;
	_ =	sdelay $0x1  }
0xae: {  	s14 =	simm.s32 $0xE200  }
0xaf: {  	[tilespmem:s14], [sflag:$0x1] =	stream.indirect_vreg.gather [hbm4b:s3+s2], $0x80, v4, vm0, $0xb8;
	[tilespmem:$0x10200] =	vst v63  }
0xb0: {  	s14 =	simm.s32 $0xEA00  }
0xb1: {  	[tilespmem:s14], [sflag:$0x1] =	stream.indirect_vreg.gather [hbm4b:s3+s2], $0x80, v3, vm0, $0xb8;
	[tilespmem:$0x10200] =	vst v63  }
0xb2: {  	v3 =	vld [tilespmem:$0xF0];
	_ =	sdelay $0x4  }
0xb3: {  	v47 =	vshll.u32 v3, $0x1  }
0xb4: {  	v3 =	vand.u32 $0x7, v3;
	v4 =	vand.u32 $0xFFFFFFF0, v47  }
0xb5: {  	v3 =	vor.u32 v3, v4  }
0xb6: {  	v4 =	vperm.xlane v3, v0;
	_ =	sdelay $0x1  }
0xb7: {  	v3 =	vperm.xlane v3, v2;
	v4 =	vadd.s32 v1, v4;
	_ =	sdelay $0x1  }
0xb8: {  	v3 =	vadd.s32 v1, v3;
	_ =	sdelay $0x1  }
0xb9: {  	s14 =	simm.s32 $0xF200  }
0xba: {  	[tilespmem:s14], [sflag:$0x1] =	stream.indirect_vreg.gather [hbm4b:s3+s2], $0x80, v4, vm0, $0xb8;
	[tilespmem:$0x10200] =	vst v63  }
0xbb: {  	s14 =	simm.s32 $0xFA00  }
0xbc: {  	[tilespmem:s14], [sflag:$0x1] =	stream.indirect_vreg.gather [hbm4b:s3+s2], $0x80, v3, vm0, $0xb8;
	[tilespmem:$0x10200] =	vst v63  }
0xbd: {  	_ =	swait.ge [sflag:s12], $0x8000  }
0xbe: {  	[sflag:s12] =	ssyncset.done $0x0  }
0xbf: {  	s0 =	simm.s32 $0x200;
	s14 =	rddreg [dreg:$0x3];
	[sflag:s12] =	ssyncadd.s32 $0xFFFF8000  }
0xc0: {  	[hbm4b:s14+s2] =	stream.linear.scatter [tilespmem:s0], [sflag:$0x2], $0x8000, $0x38;
	[tilespmem:$0x10200] =	vst v63  }
0xc1: {  	_ =	swait.ge [sflag:s13], $0x8000  }
0xc2: {  	[sflag:s13] =	ssyncset.done $0x0  }
0xc3: {  	[sflag:s13] =	ssyncadd.s32 $0xFFFF8000  }
0xc4: {  	v3 =	vld [tilespmem:$0x100];
	_ =	sdelay $0x4  }
0xc5: {  	v48 =	vshll.u32 v3, $0x1  }
0xc6: {  	v3 =	vand.u32 $0x7, v3;
	v4 =	vand.u32 $0xFFFFFFF0, v48  }
0xc7: {  	v3 =	vor.u32 v3, v4  }
0xc8: {  	v4 =	vperm.xlane v3, v0;
	_ =	sdelay $0x1  }
0xc9: {  	v3 =	vperm.xlane v3, v2;
	v4 =	vadd.s32 v1, v4;
	_ =	sdelay $0x1  }
0xca: {  	v3 =	vadd.s32 v1, v3;
	_ =	sdelay $0x2  }
0xcb: {  	[tilespmem:s0], [sflag:$0x1] =	stream.indirect_vreg.gather [hbm4b:s3+s2], $0x80, v4, vm0, $0xb8;
	[tilespmem:$0x10200] =	vst v63  }
0xcc: {  	_ = 	snop  }
0xcd: {  	[tilespmem:s15], [sflag:$0x1] =	stream.indirect_vreg.gather [hbm4b:s3+s2], $0x80, v3, vm0, $0xb8;
	[tilespmem:$0x10200] =	vst v63  }
0xce: {  	v3 =	vld [tilespmem:$0x110];
	_ =	sdelay $0x4  }
0xcf: {  	v49 =	vshll.u32 v3, $0x1  }
0xd0: {  	v3 =	vand.u32 $0x7, v3;
	v4 =	vand.u32 $0xFFFFFFF0, v49  }
0xd1: {  	v3 =	vor.u32 v3, v4  }
0xd2: {  	v4 =	vperm.xlane v3, v0;
	_ =	sdelay $0x1  }
0xd3: {  	v3 =	vperm.xlane v3, v2;
	v4 =	vadd.s32 v1, v4;
	_ =	sdelay $0x1  }
0xd4: {  	v3 =	vadd.s32 v1, v3;
	_ =	sdelay $0x2  }
0xd5: {  	[tilespmem:s16], [sflag:$0x1] =	stream.indirect_vreg.gather [hbm4b:s3+s2], $0x80, v4, vm0, $0xb8;
	[tilespmem:$0x10200] =	vst v63  }
0xd6: {  	_ = 	snop  }
0xd7: {  	[tilespmem:s17], [sflag:$0x1] =	stream.indirect_vreg.gather [hbm4b:s3+s2], $0x80, v3, vm0, $0xb8;
	[tilespmem:$0x10200] =	vst v63  }
0xd8: {  	v3 =	vld [tilespmem:$0x120];
	_ =	sdelay $0x4  }
0xd9: {  	v50 =	vshll.u32 v3, $0x1  }
0xda: {  	v3 =	vand.u32 $0x7, v3;
	v4 =	vand.u32 $0xFFFFFFF0, v50  }
0xdb: {  	v3 =	vor.u32 v3, v4  }
0xdc: {  	v4 =	vperm.xlane v3, v0;
	_ =	sdelay $0x1  }
0xdd: {  	v3 =	vperm.xlane v3, v2;
	v4 =	vadd.s32 v1, v4;
	_ =	sdelay $0x1  }
0xde: {  	v3 =	vadd.s32 v1, v3;
	_ =	sdelay $0x2  }
0xdf: {  	[tilespmem:s18], [sflag:$0x1] =	stream.indirect_vreg.gather [hbm4b:s3+s2], $0x80, v4, vm0, $0xb8;
	[tilespmem:$0x10200] =	vst v63  }
0xe0: {  	_ = 	snop  }
0xe1: {  	[tilespmem:s19], [sflag:$0x1] =	stream.indirect_vreg.gather [hbm4b:s3+s2], $0x80, v3, vm0, $0xb8;
	[tilespmem:$0x10200] =	vst v63  }
0xe2: {  	v3 =	vld [tilespmem:$0x130];
	_ =	sdelay $0x4  }
0xe3: {  	v51 =	vshll.u32 v3, $0x1  }
0xe4: {  	v3 =	vand.u32 $0x7, v3;
	v4 =	vand.u32 $0xFFFFFFF0, v51  }
0xe5: {  	v3 =	vor.u32 v3, v4  }
0xe6: {  	v4 =	vperm.xlane v3, v0;
	_ =	sdelay $0x1  }
0xe7: {  	v3 =	vperm.xlane v3, v2;
	v4 =	vadd.s32 v1, v4;
	_ =	sdelay $0x1  }
0xe8: {  	v3 =	vadd.s32 v1, v3;
	_ =	sdelay $0x2  }
0xe9: {  	[tilespmem:s20], [sflag:$0x1] =	stream.indirect_vreg.gather [hbm4b:s3+s2], $0x80, v4, vm0, $0xb8;
	[tilespmem:$0x10200] =	vst v63  }
0xea: {  	_ = 	snop  }
0xeb: {  	[tilespmem:s21], [sflag:$0x1] =	stream.indirect_vreg.gather [hbm4b:s3+s2], $0x80, v3, vm0, $0xb8;
	[tilespmem:$0x10200] =	vst v63  }
0xec: {  	v3 =	vld [tilespmem:$0x140];
	_ =	sdelay $0x4  }
0xed: {  	v52 =	vshll.u32 v3, $0x1  }
0xee: {  	v3 =	vand.u32 $0x7, v3;
	v4 =	vand.u32 $0xFFFFFFF0, v52  }
0xef: {  	v3 =	vor.u32 v3, v4  }
0xf0: {  	v4 =	vperm.xlane v3, v0;
	_ =	sdelay $0x1  }
0xf1: {  	v3 =	vperm.xlane v3, v2;
	v4 =	vadd.s32 v1, v4;
	_ =	sdelay $0x1  }
0xf2: {  	v3 =	vadd.s32 v1, v3;
	_ =	sdelay $0x2  }
0xf3: {  	[tilespmem:s23], [sflag:$0x1] =	stream.indirect_vreg.gather [hbm4b:s3+s2], $0x80, v4, vm0, $0xb8;
	[tilespmem:$0x10200] =	vst v63  }
0xf4: {  	_ = 	snop  }
0xf5: {  	[tilespmem:s24], [sflag:$0x1] =	stream.indirect_vreg.gather [hbm4b:s3+s2], $0x80, v3, vm0, $0xb8;
	[tilespmem:$0x10200] =	vst v63  }
0xf6: {  	v3 =	vld [tilespmem:$0x150];
	_ =	sdelay $0x4  }
0xf7: {  	v53 =	vshll.u32 v3, $0x1  }
0xf8: {  	v3 =	vand.u32 $0x7, v3;
	v4 =	vand.u32 $0xFFFFFFF0, v53  }
0xf9: {  	v3 =	vor.u32 v3, v4  }
0xfa: {  	v4 =	vperm.xlane v3, v0;
	_ =	sdelay $0x1  }
0xfb: {  	v3 =	vperm.xlane v3, v2;
	v4 =	vadd.s32 v1, v4;
	_ =	sdelay $0x1  }
0xfc: {  	v3 =	vadd.s32 v1, v3;
	_ =	sdelay $0x2  }
0xfd: {  	[tilespmem:s25], [sflag:$0x1] =	stream.indirect_vreg.gather [hbm4b:s3+s2], $0x80, v4, vm0, $0xb8;
	[tilespmem:$0x10200] =	vst v63  }
0xfe: {  	_ = 	snop  }
0xff: {  	[tilespmem:s26], [sflag:$0x1] =	stream.indirect_vreg.gather [hbm4b:s3+s2], $0x80, v3, vm0, $0xb8;
	[tilespmem:$0x10200] =	vst v63  }
0x100: {  	v3 =	vld [tilespmem:$0x160];
	_ =	sdelay $0x4  }
0x101: {  	v54 =	vshll.u32 v3, $0x1  }
0x102: {  	v3 =	vand.u32 $0x7, v3;
	v4 =	vand.u32 $0xFFFFFFF0, v54  }
0x103: {  	v3 =	vor.u32 v3, v4  }
0x104: {  	v4 =	vperm.xlane v3, v0;
	_ =	sdelay $0x1  }
0x105: {  	v3 =	vperm.xlane v3, v2;
	v4 =	vadd.s32 v1, v4;
	_ =	sdelay $0x1  }
0x106: {  	v3 =	vadd.s32 v1, v3;
	_ =	sdelay $0x2  }
0x107: {  	[tilespmem:s28], [sflag:$0x1] =	stream.indirect_vreg.gather [hbm4b:s3+s2], $0x80, v4, vm0, $0xb8;
	[tilespmem:$0x10200] =	vst v63  }
0x108: {  	_ = 	snop  }
0x109: {  	[tilespmem:s29], [sflag:$0x1] =	stream.indirect_vreg.gather [hbm4b:s3+s2], $0x80, v3, vm0, $0xb8;
	[tilespmem:$0x10200] =	vst v63  }
0x10a: {  	v3 =	vld [tilespmem:$0x170];
	_ =	sdelay $0x4  }
0x10b: {  	v55 =	vshll.u32 v3, $0x1  }
0x10c: {  	v3 =	vand.u32 $0x7, v3;
	v4 =	vand.u32 $0xFFFFFFF0, v55  }
0x10d: {  	v3 =	vor.u32 v3, v4  }
0x10e: {  	v4 =	vperm.xlane v3, v0;
	_ =	sdelay $0x1  }
0x10f: {  	v3 =	vperm.xlane v3, v2;
	v4 =	vadd.s32 v1, v4;
	_ =	sdelay $0x1  }
0x110: {  	v3 =	vadd.s32 v1, v3;
	_ =	sdelay $0x2  }
0x111: {  	[tilespmem:s30], [sflag:$0x1] =	stream.indirect_vreg.gather [hbm4b:s3+s2], $0x80, v4, vm0, $0xb8;
	[tilespmem:$0x10200] =	vst v63  }
0x112: {  	_ = 	snop  }
0x113: {  	[tilespmem:s31], [sflag:$0x1] =	stream.indirect_vreg.gather [hbm4b:s3+s2], $0x80, v3, vm0, $0xb8;
	[tilespmem:$0x10200] =	vst v63  }
0x114: {  	_ =	swait.ge [sflag:s12], $0x8000  }
0x115: {  	[sflag:s12] =	ssyncset.done $0x0  }
0x116: {  	s0 =	rddreg [dreg:$0x4];
	[sflag:s12] =	ssyncadd.s32 $0xFFFF8000  }
0x117: {  	[hbm4b:s0+s2] =	stream.linear.scatter [tilespmem:s1], [sflag:$0x2], $0x8000, $0x38;
	[tilespmem:$0x10200] =	vst v63  }
0x118: {  	_ =	swait.ge [sflag:s13], $0x8000  }
0x119: {  	[sflag:s13] =	ssyncset.done $0x0  }
0x11a: {  	[sflag:s13] =	ssyncadd.s32 $0xFFFF8000  }
0x11b: {  	v3 =	vld [tilespmem:$0x180];
	_ =	sdelay $0x4  }
0x11c: {  	v56 =	vshll.u32 v3, $0x1  }
0x11d: {  	v3 =	vand.u32 $0x7, v3;
	v4 =	vand.u32 $0xFFFFFFF0, v56  }
0x11e: {  	v3 =	vor.u32 v3, v4  }
0x11f: {  	v4 =	vperm.xlane v3, v0;
	_ =	sdelay $0x1  }
0x120: {  	v3 =	vperm.xlane v3, v2;
	v4 =	vadd.s32 v1, v4;
	_ =	sdelay $0x1  }
0x121: {  	v3 =	vadd.s32 v1, v3;
	_ =	sdelay $0x2  }
0x122: {  	[tilespmem:s1], [sflag:$0x1] =	stream.indirect_vreg.gather [hbm4b:s3+s2], $0x80, v4, vm0, $0xb8;
	[tilespmem:$0x10200] =	vst v63  }
0x123: {  	s14 =	simm.s32 $0x8A00  }
0x124: {  	[tilespmem:s14], [sflag:$0x1] =	stream.indirect_vreg.gather [hbm4b:s3+s2], $0x80, v3, vm0, $0xb8;
	[tilespmem:$0x10200] =	vst v63  }
0x125: {  	v3 =	vld [tilespmem:$0x190];
	_ =	sdelay $0x4  }
0x126: {  	v57 =	vshll.u32 v3, $0x1  }
0x127: {  	v3 =	vand.u32 $0x7, v3;
	v4 =	vand.u32 $0xFFFFFFF0, v57  }
0x128: {  	v3 =	vor.u32 v3, v4  }
0x129: {  	v4 =	vperm.xlane v3, v0;
	_ =	sdelay $0x1  }
0x12a: {  	v3 =	vperm.xlane v3, v2;
	v4 =	vadd.s32 v1, v4;
	_ =	sdelay $0x1  }
0x12b: {  	v3 =	vadd.s32 v1, v3;
	_ =	sdelay $0x2  }
0x12c: {  	[tilespmem:s22], [sflag:$0x1] =	stream.indirect_vreg.gather [hbm4b:s3+s2], $0x80, v4, vm0, $0xb8;
	[tilespmem:$0x10200] =	vst v63  }
0x12d: {  	_ = 	snop  }
0x12e: {  	[tilespmem:s7], [sflag:$0x1] =	stream.indirect_vreg.gather [hbm4b:s3+s2], $0x80, v3, vm0, $0xb8;
	[tilespmem:$0x10200] =	vst v63  }
0x12f: {  	v3 =	vld [tilespmem:$0x1A0];
	_ =	sdelay $0x4  }
0x130: {  	v58 =	vshll.u32 v3, $0x1  }
0x131: {  	v3 =	vand.u32 $0x7, v3;
	v4 =	vand.u32 $0xFFFFFFF0, v58  }
0x132: {  	v3 =	vor.u32 v3, v4  }
0x133: {  	v4 =	vperm.xlane v3, v0;
	_ =	sdelay $0x1  }
0x134: {  	v3 =	vperm.xlane v3, v2;
	v4 =	vadd.s32 v1, v4;
	_ =	sdelay $0x1  }
0x135: {  	v3 =	vadd.s32 v1, v3;
	_ =	sdelay $0x2  }
0x136: {  	[tilespmem:s8], [sflag:$0x1] =	stream.indirect_vreg.gather [hbm4b:s3+s2], $0x80, v4, vm0, $0xb8;
	[tilespmem:$0x10200] =	vst v63  }
0x137: {  	_ = 	snop  }
0x138: {  	[tilespmem:s9], [sflag:$0x1] =	stream.indirect_vreg.gather [hbm4b:s3+s2], $0x80, v3, vm0, $0xb8;
	[tilespmem:$0x10200] =	vst v63  }
0x139: {  	v3 =	vld [tilespmem:$0x1B0];
	_ =	sdelay $0x4  }
0x13a: {  	v59 =	vshll.u32 v3, $0x1  }
0x13b: {  	v3 =	vand.u32 $0x7, v3;
	v4 =	vand.u32 $0xFFFFFFF0, v59  }
0x13c: {  	v3 =	vor.u32 v3, v4  }
0x13d: {  	v4 =	vperm.xlane v3, v0;
	_ =	sdelay $0x1  }
0x13e: {  	v3 =	vperm.xlane v3, v2;
	v4 =	vadd.s32 v1, v4;
	_ =	sdelay $0x1  }
0x13f: {  	v3 =	vadd.s32 v1, v3;
	_ =	sdelay $0x2  }
0x140: {  	[tilespmem:s10], [sflag:$0x1] =	stream.indirect_vreg.gather [hbm4b:s3+s2], $0x80, v4, vm0, $0xb8;
	[tilespmem:$0x10200] =	vst v63  }
0x141: {  	_ = 	snop  }
0x142: {  	[tilespmem:s11], [sflag:$0x1] =	stream.indirect_vreg.gather [hbm4b:s3+s2], $0x80, v3, vm0, $0xb8;
	[tilespmem:$0x10200] =	vst v63  }
0x143: {  	v3 =	vld [tilespmem:$0x1C0];
	_ =	sdelay $0x4  }
0x144: {  	v60 =	vshll.u32 v3, $0x1  }
0x145: {  	v3 =	vand.u32 $0x7, v3;
	v4 =	vand.u32 $0xFFFFFFF0, v60  }
0x146: {  	v3 =	vor.u32 v3, v4  }
0x147: {  	v4 =	vperm.xlane v3, v0;
	_ =	sdelay $0x1  }
0x148: {  	v3 =	vperm.xlane v3, v2;
	v4 =	vadd.s32 v1, v4;
	_ =	sdelay $0x1  }
0x149: {  	v3 =	vadd.s32 v1, v3;
	_ =	sdelay $0x2  }
0x14a: {  	[tilespmem:s5], [sflag:$0x1] =	stream.indirect_vreg.gather [hbm4b:s3+s2], $0x80, v4, vm0, $0xb8;
	[tilespmem:$0x10200] =	vst v63  }
0x14b: {  	_ = 	snop  }
0x14c: {  	[tilespmem:s6], [sflag:$0x1] =	stream.indirect_vreg.gather [hbm4b:s3+s2], $0x80, v3, vm0, $0xb8;
	[tilespmem:$0x10200] =	vst v63  }
0x14d: {  	v3 =	vld [tilespmem:$0x1D0];
	_ =	sdelay $0x4  }
0x14e: {  	v61 =	vshll.u32 v3, $0x1  }
0x14f: {  	v3 =	vand.u32 $0x7, v3;
	v4 =	vand.u32 $0xFFFFFFF0, v61  }
0x150: {  	v3 =	vor.u32 v3, v4  }
0x151: {  	v4 =	vperm.xlane v3, v0;
	_ =	sdelay $0x1  }
0x152: {  	v3 =	vperm.xlane v3, v2;
	v4 =	vadd.s32 v1, v4;
	_ =	sdelay $0x1  }
0x153: {  	v3 =	vadd.s32 v1, v3;
	_ =	sdelay $0x1  }
0x154: {  	s14 =	simm.s32 $0xD200  }
0x155: {  	[tilespmem:s14], [sflag:$0x1] =	stream.indirect_vreg.gather [hbm4b:s3+s2], $0x80, v4, vm0, $0xb8;
	[tilespmem:$0x10200] =	vst v63  }
0x156: {  	s14 =	simm.s32 $0xDA00  }
0x157: {  	[tilespmem:s14], [sflag:$0x1] =	stream.indirect_vreg.gather [hbm4b:s3+s2], $0x80, v3, vm0, $0xb8;
	[tilespmem:$0x10200] =	vst v63  }
0x158: {  	v3 =	vld [tilespmem:$0x1E0];
	_ =	sdelay $0x4  }
0x159: {  	v62 =	vshll.u32 v3, $0x1  }
0x15a: {  	v3 =	vand.u32 $0x7, v3;
	v4 =	vand.u32 $0xFFFFFFF0, v62  }
0x15b: {  	v3 =	vor.u32 v3, v4  }
0x15c: {  	v4 =	vperm.xlane v3, v0;
	_ =	sdelay $0x1  }
0x15d: {  	v3 =	vperm.xlane v3, v2;
	v4 =	vadd.s32 v1, v4;
	_ =	sdelay $0x1  }
0x15e: {  	v3 =	vadd.s32 v1, v3;
	_ =	sdelay $0x1  }
0x15f: {  	s14 =	simm.s32 $0xE200  }
0x160: {  	[tilespmem:s14], [sflag:$0x1] =	stream.indirect_vreg.gather [hbm4b:s3+s2], $0x80, v4, vm0, $0xb8;
	[tilespmem:$0x10200] =	vst v63  }
0x161: {  	s14 =	simm.s32 $0xEA00  }
0x162: {  	[tilespmem:s14], [sflag:$0x1] =	stream.indirect_vreg.gather [hbm4b:s3+s2], $0x80, v3, vm0, $0xb8;
	[tilespmem:$0x10200] =	vst v63  }
0x163: {  	v3 =	vld [tilespmem:$0x1F0];
	_ =	sdelay $0x4  }
0x164: {  	v63 =	vshll.u32 v3, $0x1  }
0x165: {  	v3 =	vand.u32 $0x7, v3;
	v4 =	vand.u32 $0xFFFFFFF0, v63  }
0x166: {  	v3 =	vor.u32 v3, v4  }
0x167: {  	v4 =	vperm.xlane v3, v0;
	_ =	sdelay $0x1  }
0x168: {  	v3 =	vperm.xlane v3, v2;
	v4 =	vadd.s32 v1, v4;
	_ =	sdelay $0x1  }
0x169: {  	v3 =	vadd.s32 v1, v3;
	_ =	sdelay $0x1  }
0x16a: {  	s14 =	simm.s32 $0xF200  }
0x16b: {  	[tilespmem:s14], [sflag:$0x1] =	stream.indirect_vreg.gather [hbm4b:s3+s2], $0x80, v4, vm0, $0xb8;
	[tilespmem:$0x10200] =	vst v63  }
0x16c: {  	s14 =	simm.s32 $0xFA00  }
0x16d: {  	[tilespmem:s14], [sflag:$0x1] =	stream.indirect_vreg.gather [hbm4b:s3+s2], $0x80, v3, vm0, $0xb8;
	[tilespmem:$0x10200] =	vst v63  }
0x16e: {  	_ =	swait.ge [sflag:s12], $0x8000  }
0x16f: {  	[sflag:s12] =	ssyncset.done $0x0  }
0x170: {  	s0 =	simm.s32 $0x200;
	s14 =	rddreg [dreg:$0x5];
	[sflag:s12] =	ssyncadd.s32 $0xFFFF8000  }
0x171: {  	[hbm4b:s14+s2] =	stream.linear.scatter [tilespmem:s0], [sflag:$0x2], $0x8000, $0x38;
	[tilespmem:$0x10200] =	vst v63  }
0x172: {  	_ =	swait.ge [sflag:s12], $0x8000  }
0x173: {  	[sflag:s12] =	ssyncset.done $0x0  }
0x174: {  	s0 =	rddreg [dreg:$0x6];
	[sflag:s12] =	ssyncadd.s32 $0xFFFF8000  }
0x175: {  	[hbm4b:s0+s2] =	stream.linear.scatter [tilespmem:s1], [sflag:$0x2], $0x8000, $0x38;
	[tilespmem:$0x10200] =	vst v63  }
0x176: {  	p0 =	sne.s32 s4, $0x1;
	_ =	swait.ge [sflag:s13], $0x8000  }
.Ltmp0:
0x177: {  	[sflag:s13] =	ssyncset.done $0x0;
	(pc) =	sbr.rel @p0 .LBB2_1-.Ltmp0, $4  }
0x178: {  	[sflag:s13] =	ssyncadd.s32 $0xFFFF8000  }
0x179: {  	_ =	swait.ge [sflag:s13], $0x8000  }
0x17a: {  	[sflag:s13] =	ssyncset.done $0x0  }
0x17b: {  	s4 =	sadd.s32 $0xFFFFFFFF, s4;
	[sflag:s13] =	ssyncadd.s32 $0xFFFF8000  }
0x17c: {  	_ =	sfence.sel $0x180000  }
0x17d: {  	[bflag:$0x0] =	sbarrier.arrive $0xFFFF  }
0x17e: {  	_ =	strace $0x9000004A  }
0x17f: {  	s0 =	stileid.u32;
	[bflag:$0x2] =	sbarrier.arrive $0xFFFF  }
0x180: {  	p0 =	sne.s32 s0, $0x0;
	s0 =	rddreg [dreg:$0x1]  }
0x181: {  	s0 =	sadd.s32 @!p0 $0x100000, s0  }
0x182: {  	[sflag:s0] =	ssyncadd.tile.s32 @!p0 $0x1;
	_ =	shalt  }
.Lfunc_end2:
_tile_overlayer_lowered:
.L_overlay_start_2:
0x183: {  	(tag) =	ssettag $0x2  }
0x184: {  	s0 =	rddreg [dreg:$0x0];
	s2 =	stileid.u32  }
0x185: {  	s1 =	rddreg [dreg:$0x1];
	p0 =	sne.s32 s2, $0x0  }
0x186: {  	s3 =	rddreg [dreg:$0x2];
	[bflag:$0x3] =	sbarrier.arrive $0xFFFF;
	s2 =	simm.s32 @!p0 $0x1C03  }
0x187: {  	[timem:s3], [sflag:s2] =	dma.local @!p0 [hbm:s0], s1  }
0x188: {  	s0 =	simm.s32 @!p0 $0x3  }
0x189: {  	_ =	swait.ge @!p0 [sflag:s0], s1  }
0x18a: {  	s1 =	ssub.s32 @!p0 $0x0, s1;
	[sflag:s0] =	ssyncset.done @!p0 $0x0  }
0x18b: {  	[sflag:s0] =	ssyncadd.s32 @!p0 s1  }
0x18c: {  	[bflag:$0x3] =	sbarrier.arrive $0xFFFF  }
0x18d: {  	_ =	shalt  }

// kernel: kernel.7.cloned.1.call-start
scs
__scs_entry_jumppad:
0x0: {  	(pc) =	sbr.rel $0x88, $3  }
0x1: {  	(tag) =	ssettag $0x0;
	lr =	simm.s32 $0x1  }
0x2: {  	[smem:$0x3F98] =	sst lr;
	_ =	strace $0xD0000000  }
0x3: {  	_ = 	snop  }
0x4: {  	_ = 	snop  }
0x5: {  	_ = 	snop  }
0x6: {  	_ = 	snop  }
0x7: {  	_ = 	snop  }
__scs_overlays_trampoline_lowered:
0x8: {  	[smem:$0x3FA7] =	sst s0  }
0x9: {  	[smem:$0x3FA8] =	sst s1  }
0xa: {  	[smem:$0x3FA9] =	sst s2  }
0xb: {  	[smem:$0x3FAA] =	sst s3  }
0xc: {  	[smem:$0x3FAB] =	sst s4  }
0xd: {  	[smem:$0x3FAC] =	sst s5  }
0xe: {  	[smem:$0x3FAD] =	sst s6  }
0xf: {  	[smem:$0x3FAE] =	sst s7  }
0x10: {  	[smem:$0x3FAF] =	sst s8  }
0x11: {  	[smem:$0x3FB0] =	sst s9;
	s0 =	simm.s32 @!p0 $0x0  }
0x12: {  	s1 =	sld [smem:$0x3F96];
	s0 =	simm.s32 @p0 $0x1  }
0x13: {  	[smem:$0x3FB1] =	sst s0;
	s0 =	simm.s32 @!p1 $0x0  }
0x14: {  	s2 =	sld [smem:$0x3F95];
	s0 =	simm.s32 @p1 $0x1  }
0x15: {  	[smem:$0x3FB2] =	sst s0;
	s0 =	simm.s32 @!p2 $0x0  }
0x16: {  	s3 =	sld [smem:$0x3FDB];
	s0 =	simm.s32 @p2 $0x1  }
0x17: {  	s4 =	simm.s32 $0x1BF5;
	[smem:$0x3FB4] =	sst s0  }
0x18: {  	s0 =	sld [smem:$0x3F97];
	_ =	swait.ge [sflag:s4], $0x0  }
0x19: {  	s7 =	sld [smem:$0x3F98]  }
0x1a: {  	s8 =	sadd.s32 $0xFFFFE003, lr  }
0x1b: {  	s9 =	sadd.s32 $0xFFFFFEF7, lr;
	s5 =	simm.s32 $0xFFFFFFFF;
	p2 =	slt.u32 s8, $0xFFFFF086  }
0x1c: {  	p1 =	slt.u32 s9, $0xF7A;
	s5 =	simm.s32 @!p2 $0x0  }
0x1d: {  	s5 =	simm.s32 @p1 $0x1;
	p0 =	seq.s32 s7, s2  }
0x1e: {  	s7 =	smul.u32 @!p0 $0xF7A, s2;
	p2 =	seq.s32 @!p0 s5, $0x0  }
0x1f: {  	s9 =	smul.u32 $0xF7A, s1;
	s8 =	simm.s32 @!p0 $0x1BF5;
	p2 =	por !p2, p0  }
0x20: {  	[sflag:s8] =	ssyncset.s32 @!p0 $0xFFFFF086;
	s6 =	sadd.s32 @!p0 s3, s7;
	s7 =	simm.s32 @!p0 $0x108  }
0x21: {  	s3 =	sadd.s32 s3, s9;
	s6 =	sadd.s32 @!p0 $0x88, s6;
	s7 =	simm.s32 @p2 $0x1082  }
0x22: {  	[simem:s7], [sflag:s8] =	dma.local @!p0 [hbm:s6], $0xF7A  }
0x23: {  	s9 =	sor.u32 $0xD0000000, s2;
	s6 =	simm.s32 $0x108;
	_ =	swait.ge @!p0 [sflag:s8], $0x0  }
0x24: {  	s3 =	sadd.s32 $0x88, s3;
	s6 =	simm.s32 @!p1 $0x1082;
	[sflag:s4] =	ssyncset.s32 $0xFFFFF086  }
0x25: {  	[simem:s6], [sflag:s4] =	dma.local [hbm:s3], $0xF7A  }
0x26: {  	[smem:$0x3F98] =	sst s1;
	(tag) =	ssettag s2;
	_ =	strace s9  }
0x27: {  	s1 =	sld [smem:$0x3FA8]  }
0x28: {  	s2 =	sld [smem:$0x3FA9]  }
0x29: {  	s4 =	sld [smem:$0x3FAB]  }
0x2a: {  	p0 =	seq.s32 s5, $0x0;
	s5 =	sld [smem:$0x3FAC]  }
0x2b: {  	s6 =	sld [smem:$0x3FAD]  }
0x2c: {  	s7 =	sld [smem:$0x3FAE]  }
0x2d: {  	s3 =	simm.s32 $0x108;
	s8 =	sld [smem:$0x3FAF]  }
0x2e: {  	s3 =	simm.s32 @!p0 $0x1082;
	s9 =	sld [smem:$0x3FB0]  }
0x2f: {  	lr =	sadd.s32 s0, s3;
	s0 =	sld [smem:$0x3FA7]  }
0x30: {  	s3 =	sld [smem:$0x3FAA]  }
0x31: {  	[smem:$0x3FB3] =	sst s10  }
0x32: {  	s10 =	sld [smem:$0x3FB1];
	_ =	sdelay $0x3  }
0x33: {  	p0 =	seq.s32 s10, $0x1;
	s10 =	sld [smem:$0x3FB3];
	_ =	sdelay $0x3  }
0x34: {  	[smem:$0x3FB3] =	sst s10  }
0x35: {  	s10 =	sld [smem:$0x3FB2];
	_ =	sdelay $0x3  }
0x36: {  	p1 =	seq.s32 s10, $0x1;
	s10 =	sld [smem:$0x3FB3];
	_ =	sdelay $0x3  }
0x37: {  	[smem:$0x3FB3] =	sst s10  }
0x38: {  	s10 =	sld [smem:$0x3FB4]  }
0x39: {  	_ = 	snop;
	(pc) =	sbr.ind lr, $3  }
0x3a: {  	_ = 	snop  }
0x3b: {  	_ = 	snop  }
0x3c: {  	p2 =	seq.s32 s10, $0x1;
	s10 =	sld [smem:$0x3FB3]  }
0x3d: {  	_ =	shalt  }
0x3e: {  	_ =	shalt  }
0x3f: {  	_ =	shalt  }
0x40: {  	_ =	shalt  }
0x41: {  	_ =	shalt  }
0x42: {  	_ =	shalt  }
0x43: {  	_ =	shalt  }
0x44: {  	_ =	shalt  }
0x45: {  	_ =	shalt  }
0x46: {  	_ =	shalt  }
0x47: {  	_ =	shalt  }
0x48: {  	_ =	shalt  }
0x49: {  	_ =	shalt  }
0x4a: {  	_ =	shalt  }
0x4b: {  	_ =	shalt  }
0x4c: {  	_ =	shalt  }
0x4d: {  	_ =	shalt  }
0x4e: {  	_ =	shalt  }
0x4f: {  	_ =	shalt  }
0x50: {  	_ =	shalt  }
0x51: {  	_ =	shalt  }
0x52: {  	_ =	shalt  }
0x53: {  	_ =	shalt  }
0x54: {  	_ =	shalt  }
0x55: {  	_ =	shalt  }
0x56: {  	_ =	shalt  }
0x57: {  	_ =	shalt  }
0x58: {  	_ =	shalt  }
0x59: {  	_ =	shalt  }
0x5a: {  	_ =	shalt  }
0x5b: {  	_ =	shalt  }
0x5c: {  	_ =	shalt  }
0x5d: {  	_ =	shalt  }
0x5e: {  	_ =	shalt  }
0x5f: {  	_ =	shalt  }
0x60: {  	_ =	shalt  }
0x61: {  	_ =	shalt  }
0x62: {  	_ =	shalt  }
0x63: {  	_ =	shalt  }
0x64: {  	_ =	shalt  }
0x65: {  	_ =	shalt  }
0x66: {  	_ =	shalt  }
0x67: {  	_ =	shalt  }
0x68: {  	_ =	shalt  }
0x69: {  	_ =	shalt  }
0x6a: {  	_ =	shalt  }
0x6b: {  	_ =	shalt  }
0x6c: {  	_ =	shalt  }
0x6d: {  	_ =	shalt  }
0x6e: {  	_ =	shalt  }
0x6f: {  	_ =	shalt  }
0x70: {  	_ =	shalt  }
0x71: {  	_ =	shalt  }
0x72: {  	_ =	shalt  }
0x73: {  	_ =	shalt  }
0x74: {  	_ =	shalt  }
0x75: {  	_ =	shalt  }
0x76: {  	_ =	shalt  }
0x77: {  	_ =	shalt  }
0x78: {  	_ =	shalt  }
0x79: {  	_ =	shalt  }
0x7a: {  	_ =	shalt  }
0x7b: {  	_ =	shalt  }
0x7c: {  	_ =	shalt  }
0x7d: {  	_ =	shalt  }
0x7e: {  	_ =	shalt  }
0x7f: {  	_ =	shalt  }
0x80: {  	_ =	shalt  }
0x81: {  	_ =	shalt  }
0x82: {  	_ =	shalt  }
0x83: {  	_ =	shalt  }
0x84: {  	_ =	shalt  }
0x85: {  	_ =	shalt  }
0x86: {  	_ =	shalt  }
0x87: {  	_ =	shalt  }
.Lfunc_end0:
.L_simem_size_0:
called_computation_lowered:
.L_overlay_start_0:
0x88: {  	s2 =	sld [smem:$0x3FD9]  }
0x89: {  	s3 =	sld [smem:$0x3FFE];
	_ =	sdelay $0x1  }
0x8a: {  	s1 =	srdreg.scid  }
0x8b: {  	s0 =	sand.u32 $0x1, s1  }
0x8c: {  	s14 =	sshll.u32 s0, $0xA;
	s2 =	sadd.s32 s3, s2  }
0x8d: {  	s2 =	sadd.s32 s2, s14  }
0x8e: {  	[smem:$0x3FBF] =	sst s2  }
0x8f: {  	_ = 	snop  }
0x90: {  	s2 =	sld [smem:$0x3FD0];
	_ =	sdelay $0x2  }
0x91: {  	s15 =	simm.s32 $0xB;
	s4 =	simm.s32 $0x10  }
0x92: {  	[smem:s4], [sflag:s15] =	dma.local [hbm:s2], $0x1  }
0x93: {  	_ =	swait.eq [sflag:s15], $0x1  }
0x94: {  	[sflag:s15] =	ssyncset.done $0x0  }
0x95: {  	s16 =	sld [smem:$0x10];
	[sflag:s15] =	ssyncadd.s32 $0xFFFFFFFF  }
0x96: {  	s17 =	sld [smem:$0x11];
	(tm) =	ssettm $0x1  }
0x97: {  	s18 =	sld [smem:$0x3FFB];
	_ =	sdelay $0x3  }
0x98: {  	_ =	strace s18  }
0x99: {  	s4 =	sld [smem:$0x3FFC];
	_ =	sdelay $0x3  }
0x9a: {  	_ =	strace s4  }
0x9b: {  	s4 =	sld [smem:$0x3FFD];
	_ =	sdelay $0x3  }
0x9c: {  	_ =	strace s4  }
0x9d: {  	_ =	strace $0x8FFFFFFF  }
0x9e: {  	s19 =	sld [smem:$0x3FDB];
	_ =	sdelay $0x1  }
0x9f: {  	s5 =	simm.s32 $_scs_section_size  }
0xa0: {  	s6 =	simm.s32 $_size__tile_overlayer_lowered;
	s7 =	simm.s32 $_tile_overlayer_lowered  }
0xa1: {  	s22 =	simm.s32 $0x1BFF;
	s21 =	sshll.u32 s7, $0x1;
	s4 =	sadd.s32 s5, s19  }
0xa2: {  	s8 =	simm.s32 $0x0;
	s20 =	sshll.u32 s6, $0x1;
	s6 =	sadd.s32 s21, s4  }
0xa3: {  	[timem:s8], [sflag:s22] =	dma.local [hbm:s6], s20  }
0xa4: {  	_ =	swait.ge [sflag:s22], s20  }
0xa5: {  	s5 =	ssub.s32 $0x0, s20;
	[sflag:s22] =	ssyncset.done $0x0  }
0xa6: {  	[sflag:s22] =	ssyncadd.s32 s5;
	_ =	sdelay $0x1  }
0xa7: {  	s23 =	simm.s32 $0x1B8B  }
0xa8: {  	_ =	swait.ge [sflag:s23], $0x1  }
0xa9: {  	[sflag:s23] =	ssyncset.done $0x0  }
0xaa: {  	s25 =	simm.s32 $0x1B8E;
	s24 =	sld [smem:$0x3FFE];
	[sflag:s23] =	ssyncadd.s32 $0xFFFFFFFF  }
0xab: {  	s26 =	simm.s32 $execute0_lowered;
	[smem:$0x3FD2] =	sst s25  }
0xac: {  	s6 =	sshll.u32 s26, $0x1;
	_ =	strace $0x80000046;
	[dreg:$0x1] =	wrdreg $0xFFFFFFFF  }
0xad: {  	s28 =	simm.s32 $_size_execute0_lowered;
	s4 =	sadd.s32 s4, s6;
	[dreg:$0x0] =	wrdreg $0x0  }
0xae: {  	s6 =	sshll.u32 s28, $0x1;
	[dreg:$0x2] =	wrdreg s4  }
0xaf: {  	[dreg:$0x3] =	wrdreg s6  }
0xb0: {  	[dreg:$0x4] =	wrdreg $0xC0  }
0xb1: {  	_ =	task [dreg:s8], $0x5FFFF  }
0xb2: {  	[dreg:$0x1] =	wrdreg $0xFFFFFFFF  }
0xb3: {  	[dreg:$0x0] =	wrdreg $0x60  }
0xb4: {  	[dreg:$0x2] =	wrdreg s24  }
0xb5: {  	[dreg:$0x3] =	wrdreg s17  }
0xb6: {  	[dreg:$0x4] =	wrdreg s16  }
0xb7: {  	[dreg:$0x5] =	wrdreg $0x9  }
0xb8: {  	_ =	task.clear_ibuf [dreg:s8], $0x6FFFF;
	_ =	strace $0x90000046  }
0xb9: {  	s29 =	simm.s32 $0x9;
	_ =	strace $0x80000048  }
0xba: {  	_ =	swait.ge [sflag:s29], $0x1  }
0xbb: {  	[sflag:s29] =	ssyncadd.s32 $0xFFFFFFFF  }
0xbc: {  	_ =	strace $0x90000048  }
0xbd: {  	_ =	sfence  }
0xbe: {  	s30 =	sld [smem:$0x0];
	_ =	sdelay $0x2  }
0xbf: {  	s31 =	sshll.u32 s1, $0xD;
	s1 =	sshrl.u32 s1, $0x2  }
0xc0: {  	s3 =	sand.u32 $0x4000, s31;
	s1 =	sadd.s32 s1, s30  }
0xc1: {  	s0 =	sor.u32 s3, s0;
	s1 =	sshll.u32 s1, $0x11  }
0xc2: {  	s0 =	sor.u32 s1, s0  }
0xc3: {  	s0 =	sadd.s32 $0x8F2B, s0  }
0xc4: {  	[sflag:s0] =	ssyncadd.remote.s32 $0x1  }
0xc5: {  	_ =	sfence.sel $0xFFFF  }
0xc6: {  	[dreg:$0x0] =	wrdreg $0xFFFFFFFF;
	(pc) =	sbr.abs _section_cstart, $3  }
0xc7: {  	[dreg:$0x1] =	wrdreg $0xFFFFFFFF  }
0xc8: {  	_ =	task.clear_ibuf [dreg:s8], $0x2FFFF;
	_ =	strace $0x9FFFFFFF  }
0xc9: {  	(tm) =	ssettm $0x7FFFFFFF  }
tec
execute0_lowered:
.L_overlay_start_1:
0x0: {  	(tag) =	ssettag $0x1  }
0x1: {  	s0 =	rddreg [dreg:$0x0]  }
0x2: {  	s1 =	srdreg.scid;
	s3 =	rddreg [dreg:$0x1]  }
0x3: {  	s2 =	stileid.u32;
	s4 =	rddreg [dreg:$0x2];
	s14 =	simm.s32 $0x1  }
0x4: {  	s15 =	simm.s32 $0x2;
	s17 =	simm.s32 $0x1200;
	s18 =	simm.s32 $0x1A00  }
0x5: {  	s19 =	simm.s32 $0x2200;
	s20 =	simm.s32 $0x2A00;
	s21 =	simm.s32 $0x3200  }
0x6: {  	s28 =	simm.s32 $0x5A00;
	s29 =	simm.s32 $0x6200;
	s30 =	simm.s32 $0x6A00  }
0x7: {  	s31 =	simm.s32 $0x7200;
	s8 =	simm.s32 $0x9200;
	s9 =	simm.s32 $0x9A00  }
0x8: {  	s10 =	simm.s32 $0xA200;
	s12 =	simm.s32 $0xB200;
	s13 =	simm.s32 $0xBA00  }
0x9: {  	s1 =	sand.u32 $0x1, s1;
	s5 =	sshll.u32 s2, $0xA;
	s2 =	simm.s32 $0x0  }
0xa: {  	s7 =	simm.s32 $0xCA00;
	s6 =	sshll.u32 s1, $0x9;
	[smem:$0x7FF] =	sst s2  }
0xb: {  	s1 =	ssub.s32 $0x2, s1;
	s5 =	sor.u32 s6, s5;
	_ =	strace $0x80000047  }
0xc: {  	s24 =	sshrl.u32 s1, $0x1;
	s6 =	sshrl.u32 s5, $0x3;
	s5 =	sshll.u32 s5, $0x5  }
0xd: {  	s26 =	ssub.s32 s1, s24;
	s24 =	simm.s32 $0x4200;
	s1 =	simm.s32 $0x8200  }
0xe: {  	s6 =	sadd.s32 s3, s6;
	s22 =	sadd.s32 s4, s5;
	s5 =	smax.u32 s26, $0x1  }
0xf: {  	s26 =	simm.s32 $0x5200;
	s3 =	simm.s32 $0x7A00;
	[dreg:$0x4] =	wrdreg s6  }
0x10: {  	s4 =	sadd.s32 $0x1000, s22;
	s23 =	sadd.s32 $0x2000, s22;
	[dreg:$0x8] =	wrdreg s22  }
0x11: {  	v2 =	vlaneseq.u32;
	s25 =	sadd.s32 $0x3000, s22;
	s22 =	simm.s32 $0x3A00;
	[dreg:$0x5] =	wrdreg s4  }
0x12: {  	vm0 =	vmmov $0xffff;
	v1 =	vshrl.u32 v2, $0x3;
	s6 =	simm.s32 $0xC200;
	[dreg:$0x6] =	wrdreg s23;
	s4 =	sadd.s32 $0x1E00, s0  }
0x13: {  	v0 =	vand.u32 $0x7, v2;
	v2 =	vor.u32 $0x8, v2;
	v1 =	vmul.u32 $0x8, v1;
	[dreg:$0x7] =	wrdreg s25;
	s25 =	simm.s32 $0x4A00;
	s23 =	simm.s32 $0x8A00  }
.LBB2_1:
0x14: {  	s16 =	rddreg [dreg:$0x4];
	s0 =	simm.s32 $0x3  }
0x15: {  	[tilespmem:s2], [sflag:$0x3] =	stream.linear.gather [hbm4b:s16+s2], $0x200, $0x38;
	[tilespmem:$0x10200] =	vst v63  }
0x16: {  	_ =	swait.ge [sflag:s0], $0x200  }
0x17: {  	[sflag:s0] =	ssyncset.done $0x0  }
0x18: {  	[sflag:s0] =	ssyncadd.s32 $0xFFFFFE00  }
0x19: {  	v3 =	vld [tilespmem:$0x0];
	_ =	sdelay $0x4  }
0x1a: {  	v4 =	vshll.u32 v3, $0x1  }
0x1b: {  	v3 =	vand.u32 $0x7, v3;
	v4 =	vand.u32 $0xFFFFFFF0, v4  }
0x1c: {  	v3 =	vor.u32 v3, v4  }
0x1d: {  	v4 =	vperm.xlane v3, v0;
	_ =	sdelay $0x1  }
0x1e: {  	v3 =	vperm.xlane v3, v2;
	v4 =	vadd.s32 v1, v4;
	_ =	sdelay $0x1  }
0x1f: {  	v3 =	vadd.s32 v1, v3;
	_ =	sdelay $0x1  }
0x20: {  	s16 =	simm.s32 $0x200  }
0x21: {  	[tilespmem:s16], [sflag:$0x1] =	stream.indirect_vreg.gather [hbm4b:s4+s2], $0x80, v4, vm0, $0xb8;
	[tilespmem:$0x10200] =	vst v63  }
0x22: {  	s16 =	simm.s32 $0xA00  }
0x23: {  	[tilespmem:s16], [sflag:$0x1] =	stream.indirect_vreg.gather [hbm4b:s4+s2], $0x80, v3, vm0, $0xb8;
	[tilespmem:$0x10200] =	vst v63  }
0x24: {  	v3 =	vld [tilespmem:$0x10];
	_ =	sdelay $0x4  }
0x25: {  	v33 =	vshll.u32 v3, $0x1  }
0x26: {  	v3 =	vand.u32 $0x7, v3;
	v4 =	vand.u32 $0xFFFFFFF0, v33  }
0x27: {  	v3 =	vor.u32 v3, v4  }
0x28: {  	v4 =	vperm.xlane v3, v0;
	_ =	sdelay $0x1  }
0x29: {  	v3 =	vperm.xlane v3, v2;
	v4 =	vadd.s32 v1, v4;
	_ =	sdelay $0x1  }
0x2a: {  	v3 =	vadd.s32 v1, v3;
	_ =	sdelay $0x2  }
0x2b: {  	[tilespmem:s17], [sflag:$0x1] =	stream.indirect_vreg.gather [hbm4b:s4+s2], $0x80, v4, vm0, $0xb8;
	[tilespmem:$0x10200] =	vst v63  }
0x2c: {  	_ = 	snop  }
0x2d: {  	[tilespmem:s18], [sflag:$0x1] =	stream.indirect_vreg.gather [hbm4b:s4+s2], $0x80, v3, vm0, $0xb8;
	[tilespmem:$0x10200] =	vst v63  }
0x2e: {  	v3 =	vld [tilespmem:$0x20];
	_ =	sdelay $0x4  }
0x2f: {  	v34 =	vshll.u32 v3, $0x1  }
0x30: {  	v3 =	vand.u32 $0x7, v3;
	v4 =	vand.u32 $0xFFFFFFF0, v34  }
0x31: {  	v3 =	vor.u32 v3, v4  }
0x32: {  	v4 =	vperm.xlane v3, v0;
	_ =	sdelay $0x1  }
0x33: {  	v3 =	vperm.xlane v3, v2;
	v4 =	vadd.s32 v1, v4;
	_ =	sdelay $0x1  }
0x34: {  	v3 =	vadd.s32 v1, v3;
	_ =	sdelay $0x2  }
0x35: {  	[tilespmem:s19], [sflag:$0x1] =	stream.indirect_vreg.gather [hbm4b:s4+s2], $0x80, v4, vm0, $0xb8;
	[tilespmem:$0x10200] =	vst v63  }
0x36: {  	_ = 	snop  }
0x37: {  	[tilespmem:s20], [sflag:$0x1] =	stream.indirect_vreg.gather [hbm4b:s4+s2], $0x80, v3, vm0, $0xb8;
	[tilespmem:$0x10200] =	vst v63  }
0x38: {  	v3 =	vld [tilespmem:$0x30];
	_ =	sdelay $0x4  }
0x39: {  	v35 =	vshll.u32 v3, $0x1  }
0x3a: {  	v3 =	vand.u32 $0x7, v3;
	v4 =	vand.u32 $0xFFFFFFF0, v35  }
0x3b: {  	v3 =	vor.u32 v3, v4  }
0x3c: {  	v4 =	vperm.xlane v3, v0;
	_ =	sdelay $0x1  }
0x3d: {  	v3 =	vperm.xlane v3, v2;
	v4 =	vadd.s32 v1, v4;
	_ =	sdelay $0x1  }
0x3e: {  	v3 =	vadd.s32 v1, v3;
	_ =	sdelay $0x2  }
0x3f: {  	[tilespmem:s21], [sflag:$0x1] =	stream.indirect_vreg.gather [hbm4b:s4+s2], $0x80, v4, vm0, $0xb8;
	[tilespmem:$0x10200] =	vst v63  }
0x40: {  	_ = 	snop  }
0x41: {  	[tilespmem:s22], [sflag:$0x1] =	stream.indirect_vreg.gather [hbm4b:s4+s2], $0x80, v3, vm0, $0xb8;
	[tilespmem:$0x10200] =	vst v63  }
0x42: {  	v3 =	vld [tilespmem:$0x40];
	_ =	sdelay $0x4  }
0x43: {  	v36 =	vshll.u32 v3, $0x1  }
0x44: {  	v3 =	vand.u32 $0x7, v3;
	v4 =	vand.u32 $0xFFFFFFF0, v36  }
0x45: {  	v3 =	vor.u32 v3, v4  }
0x46: {  	v4 =	vperm.xlane v3, v0;
	_ =	sdelay $0x1  }
0x47: {  	v3 =	vperm.xlane v3, v2;
	v4 =	vadd.s32 v1, v4;
	_ =	sdelay $0x1  }
0x48: {  	v3 =	vadd.s32 v1, v3;
	_ =	sdelay $0x2  }
0x49: {  	[tilespmem:s24], [sflag:$0x1] =	stream.indirect_vreg.gather [hbm4b:s4+s2], $0x80, v4, vm0, $0xb8;
	[tilespmem:$0x10200] =	vst v63  }
0x4a: {  	_ = 	snop  }
0x4b: {  	[tilespmem:s25], [sflag:$0x1] =	stream.indirect_vreg.gather [hbm4b:s4+s2], $0x80, v3, vm0, $0xb8;
	[tilespmem:$0x10200] =	vst v63  }
0x4c: {  	v3 =	vld [tilespmem:$0x50];
	_ =	sdelay $0x4  }
0x4d: {  	v37 =	vshll.u32 v3, $0x1  }
0x4e: {  	v3 =	vand.u32 $0x7, v3;
	v4 =	vand.u32 $0xFFFFFFF0, v37  }
0x4f: {  	v3 =	vor.u32 v3, v4  }
0x50: {  	v4 =	vperm.xlane v3, v0;
	_ =	sdelay $0x1  }
0x51: {  	v3 =	vperm.xlane v3, v2;
	v4 =	vadd.s32 v1, v4;
	_ =	sdelay $0x1  }
0x52: {  	v3 =	vadd.s32 v1, v3;
	_ =	sdelay $0x2  }
0x53: {  	[tilespmem:s26], [sflag:$0x1] =	stream.indirect_vreg.gather [hbm4b:s4+s2], $0x80, v4, vm0, $0xb8;
	[tilespmem:$0x10200] =	vst v63  }
0x54: {  	_ = 	snop  }
0x55: {  	[tilespmem:s28], [sflag:$0x1] =	stream.indirect_vreg.gather [hbm4b:s4+s2], $0x80, v3, vm0, $0xb8;
	[tilespmem:$0x10200] =	vst v63  }
0x56: {  	v3 =	vld [tilespmem:$0x60];
	_ =	sdelay $0x4  }
0x57: {  	v38 =	vshll.u32 v3, $0x1  }
0x58: {  	v3 =	vand.u32 $0x7, v3;
	v4 =	vand.u32 $0xFFFFFFF0, v38  }
0x59: {  	v3 =	vor.u32 v3, v4  }
0x5a: {  	v4 =	vperm.xlane v3, v0;
	_ =	sdelay $0x1  }
0x5b: {  	v3 =	vperm.xlane v3, v2;
	v4 =	vadd.s32 v1, v4;
	_ =	sdelay $0x1  }
0x5c: {  	v3 =	vadd.s32 v1, v3;
	_ =	sdelay $0x2  }
0x5d: {  	[tilespmem:s29], [sflag:$0x1] =	stream.indirect_vreg.gather [hbm4b:s4+s2], $0x80, v4, vm0, $0xb8;
	[tilespmem:$0x10200] =	vst v63  }
0x5e: {  	_ = 	snop  }
0x5f: {  	[tilespmem:s30], [sflag:$0x1] =	stream.indirect_vreg.gather [hbm4b:s4+s2], $0x80, v3, vm0, $0xb8;
	[tilespmem:$0x10200] =	vst v63  }
0x60: {  	v3 =	vld [tilespmem:$0x70];
	_ =	sdelay $0x4  }
0x61: {  	v39 =	vshll.u32 v3, $0x1  }
0x62: {  	v3 =	vand.u32 $0x7, v3;
	v4 =	vand.u32 $0xFFFFFFF0, v39  }
0x63: {  	v3 =	vor.u32 v3, v4  }
0x64: {  	v4 =	vperm.xlane v3, v0;
	_ =	sdelay $0x1  }
0x65: {  	v3 =	vperm.xlane v3, v2;
	v4 =	vadd.s32 v1, v4;
	_ =	sdelay $0x1  }
0x66: {  	v3 =	vadd.s32 v1, v3;
	_ =	sdelay $0x2  }
0x67: {  	[tilespmem:s31], [sflag:$0x1] =	stream.indirect_vreg.gather [hbm4b:s4+s2], $0x80, v4, vm0, $0xb8;
	[tilespmem:$0x10200] =	vst v63  }
0x68: {  	_ = 	snop  }
0x69: {  	[tilespmem:s3], [sflag:$0x1] =	stream.indirect_vreg.gather [hbm4b:s4+s2], $0x80, v3, vm0, $0xb8;
	[tilespmem:$0x10200] =	vst v63  }
0x6a: {  	v3 =	vld [tilespmem:$0x80];
	_ =	sdelay $0x4  }
0x6b: {  	v40 =	vshll.u32 v3, $0x1  }
0x6c: {  	v3 =	vand.u32 $0x7, v3;
	v4 =	vand.u32 $0xFFFFFFF0, v40  }
0x6d: {  	v3 =	vor.u32 v3, v4  }
0x6e: {  	v4 =	vperm.xlane v3, v0;
	_ =	sdelay $0x1  }
0x6f: {  	v3 =	vperm.xlane v3, v2;
	v4 =	vadd.s32 v1, v4;
	_ =	sdelay $0x1  }
0x70: {  	v3 =	vadd.s32 v1, v3;
	_ =	sdelay $0x2  }
0x71: {  	[tilespmem:s1], [sflag:$0x1] =	stream.indirect_vreg.gather [hbm4b:s4+s2], $0x80, v4, vm0, $0xb8;
	[tilespmem:$0x10200] =	vst v63  }
0x72: {  	_ = 	snop  }
0x73: {  	[tilespmem:s23], [sflag:$0x1] =	stream.indirect_vreg.gather [hbm4b:s4+s2], $0x80, v3, vm0, $0xb8;
	[tilespmem:$0x10200] =	vst v63  }
0x74: {  	v3 =	vld [tilespmem:$0x90];
	_ =	sdelay $0x4  }
0x75: {  	v41 =	vshll.u32 v3, $0x1  }
0x76: {  	v3 =	vand.u32 $0x7, v3;
	v4 =	vand.u32 $0xFFFFFFF0, v41  }
0x77: {  	v3 =	vor.u32 v3, v4  }
0x78: {  	v4 =	vperm.xlane v3, v0;
	_ =	sdelay $0x1  }
0x79: {  	v3 =	vperm.xlane v3, v2;
	v4 =	vadd.s32 v1, v4;
	_ =	sdelay $0x1  }
0x7a: {  	v3 =	vadd.s32 v1, v3;
	_ =	sdelay $0x2  }
0x7b: {  	[tilespmem:s8], [sflag:$0x1] =	stream.indirect_vreg.gather [hbm4b:s4+s2], $0x80, v4, vm0, $0xb8;
	[tilespmem:$0x10200] =	vst v63  }
0x7c: {  	_ = 	snop  }
0x7d: {  	[tilespmem:s9], [sflag:$0x1] =	stream.indirect_vreg.gather [hbm4b:s4+s2], $0x80, v3, vm0, $0xb8;
	[tilespmem:$0x10200] =	vst v63  }
0x7e: {  	v3 =	vld [tilespmem:$0xA0];
	_ =	sdelay $0x4  }
0x7f: {  	v42 =	vshll.u32 v3, $0x1  }
0x80: {  	v3 =	vand.u32 $0x7, v3;
	v4 =	vand.u32 $0xFFFFFFF0, v42  }
0x81: {  	v3 =	vor.u32 v3, v4  }
0x82: {  	v4 =	vperm.xlane v3, v0;
	_ =	sdelay $0x1  }
0x83: {  	v3 =	vperm.xlane v3, v2;
	v4 =	vadd.s32 v1, v4;
	_ =	sdelay $0x1  }
0x84: {  	v3 =	vadd.s32 v1, v3;
	_ =	sdelay $0x2  }
0x85: {  	[tilespmem:s10], [sflag:$0x1] =	stream.indirect_vreg.gather [hbm4b:s4+s2], $0x80, v4, vm0, $0xb8;
	[tilespmem:$0x10200] =	vst v63  }
0x86: {  	s11 =	simm.s32 $0xAA00  }
0x87: {  	[tilespmem:s11], [sflag:$0x1] =	stream.indirect_vreg.gather [hbm4b:s4+s2], $0x80, v3, vm0, $0xb8;
	[tilespmem:$0x10200] =	vst v63  }
0x88: {  	v3 =	vld [tilespmem:$0xB0];
	_ =	sdelay $0x4  }
0x89: {  	v43 =	vshll.u32 v3, $0x1  }
0x8a: {  	v3 =	vand.u32 $0x7, v3;
	v4 =	vand.u32 $0xFFFFFFF0, v43  }
0x8b: {  	v3 =	vor.u32 v3, v4  }
0x8c: {  	v4 =	vperm.xlane v3, v0;
	_ =	sdelay $0x1  }
0x8d: {  	v3 =	vperm.xlane v3, v2;
	v4 =	vadd.s32 v1, v4;
	_ =	sdelay $0x1  }
0x8e: {  	v3 =	vadd.s32 v1, v3;
	_ =	sdelay $0x2  }
0x8f: {  	[tilespmem:s12], [sflag:$0x1] =	stream.indirect_vreg.gather [hbm4b:s4+s2], $0x80, v4, vm0, $0xb8;
	[tilespmem:$0x10200] =	vst v63  }
0x90: {  	_ = 	snop  }
0x91: {  	[tilespmem:s13], [sflag:$0x1] =	stream.indirect_vreg.gather [hbm4b:s4+s2], $0x80, v3, vm0, $0xb8;
	[tilespmem:$0x10200] =	vst v63  }
0x92: {  	v3 =	vld [tilespmem:$0xC0];
	_ =	sdelay $0x4  }
0x93: {  	v44 =	vshll.u32 v3, $0x1  }
0x94: {  	v3 =	vand.u32 $0x7, v3;
	v4 =	vand.u32 $0xFFFFFFF0, v44  }
0x95: {  	v3 =	vor.u32 v3, v4  }
0x96: {  	v4 =	vperm.xlane v3, v0;
	_ =	sdelay $0x1  }
0x97: {  	v3 =	vperm.xlane v3, v2;
	v4 =	vadd.s32 v1, v4;
	_ =	sdelay $0x1  }
0x98: {  	v3 =	vadd.s32 v1, v3;
	_ =	sdelay $0x2  }
0x99: {  	[tilespmem:s6], [sflag:$0x1] =	stream.indirect_vreg.gather [hbm4b:s4+s2], $0x80, v4, vm0, $0xb8;
	[tilespmem:$0x10200] =	vst v63  }
0x9a: {  	_ = 	snop  }
0x9b: {  	[tilespmem:s7], [sflag:$0x1] =	stream.indirect_vreg.gather [hbm4b:s4+s2], $0x80, v3, vm0, $0xb8;
	[tilespmem:$0x10200] =	vst v63  }
0x9c: {  	v3 =	vld [tilespmem:$0xD0];
	_ =	sdelay $0x4  }
0x9d: {  	v45 =	vshll.u32 v3, $0x1  }
0x9e: {  	v3 =	vand.u32 $0x7, v3;
	v4 =	vand.u32 $0xFFFFFFF0, v45  }
0x9f: {  	v3 =	vor.u32 v3, v4  }
0xa0: {  	v4 =	vperm.xlane v3, v0;
	_ =	sdelay $0x1  }
0xa1: {  	v3 =	vperm.xlane v3, v2;
	v4 =	vadd.s32 v1, v4;
	_ =	sdelay $0x1  }
0xa2: {  	v3 =	vadd.s32 v1, v3;
	_ =	sdelay $0x1  }
0xa3: {  	s11 =	simm.s32 $0xD200  }
0xa4: {  	[tilespmem:s11], [sflag:$0x1] =	stream.indirect_vreg.gather [hbm4b:s4+s2], $0x80, v4, vm0, $0xb8;
	[tilespmem:$0x10200] =	vst v63  }
0xa5: {  	s11 =	simm.s32 $0xDA00  }
0xa6: {  	[tilespmem:s11], [sflag:$0x1] =	stream.indirect_vreg.gather [hbm4b:s4+s2], $0x80, v3, vm0, $0xb8;
	[tilespmem:$0x10200] =	vst v63  }
0xa7: {  	v3 =	vld [tilespmem:$0xE0];
	_ =	sdelay $0x4  }
0xa8: {  	v46 =	vshll.u32 v3, $0x1  }
0xa9: {  	v3 =	vand.u32 $0x7, v3;
	v4 =	vand.u32 $0xFFFFFFF0, v46  }
0xaa: {  	v3 =	vor.u32 v3, v4  }
0xab: {  	v4 =	vperm.xlane v3, v0;
	_ =	sdelay $0x1  }
0xac: {  	v3 =	vperm.xlane v3, v2;
	v4 =	vadd.s32 v1, v4;
	_ =	sdelay $0x1  }
0xad: {  	v3 =	vadd.s32 v1, v3;
	_ =	sdelay $0x1  }
0xae: {  	s11 =	simm.s32 $0xE200  }
0xaf: {  	[tilespmem:s11], [sflag:$0x1] =	stream.indirect_vreg.gather [hbm4b:s4+s2], $0x80, v4, vm0, $0xb8;
	[tilespmem:$0x10200] =	vst v63  }
0xb0: {  	s11 =	simm.s32 $0xEA00  }
0xb1: {  	[tilespmem:s11], [sflag:$0x1] =	stream.indirect_vreg.gather [hbm4b:s4+s2], $0x80, v3, vm0, $0xb8;
	[tilespmem:$0x10200] =	vst v63  }
0xb2: {  	v3 =	vld [tilespmem:$0xF0];
	_ =	sdelay $0x4  }
0xb3: {  	v47 =	vshll.u32 v3, $0x1  }
0xb4: {  	v3 =	vand.u32 $0x7, v3;
	v4 =	vand.u32 $0xFFFFFFF0, v47  }
0xb5: {  	v3 =	vor.u32 v3, v4  }
0xb6: {  	v4 =	vperm.xlane v3, v0;
	_ =	sdelay $0x1  }
0xb7: {  	v3 =	vperm.xlane v3, v2;
	v4 =	vadd.s32 v1, v4;
	_ =	sdelay $0x1  }
0xb8: {  	v3 =	vadd.s32 v1, v3;
	_ =	sdelay $0x1  }
0xb9: {  	s11 =	simm.s32 $0xF200  }
0xba: {  	[tilespmem:s11], [sflag:$0x1] =	stream.indirect_vreg.gather [hbm4b:s4+s2], $0x80, v4, vm0, $0xb8;
	[tilespmem:$0x10200] =	vst v63  }
0xbb: {  	s11 =	simm.s32 $0xFA00  }
0xbc: {  	[tilespmem:s11], [sflag:$0x1] =	stream.indirect_vreg.gather [hbm4b:s4+s2], $0x80, v3, vm0, $0xb8;
	[tilespmem:$0x10200] =	vst v63  }
0xbd: {  	_ =	swait.ge [sflag:s14], $0x8000  }
0xbe: {  	[sflag:s14] =	ssyncset.done $0x0  }
0xbf: {  	s0 =	simm.s32 $0x200;
	s11 =	rddreg [dreg:$0x8];
	[sflag:s14] =	ssyncadd.s32 $0xFFFF8000  }
0xc0: {  	[hbm4b:s11+s2] =	stream.linear.scatter [tilespmem:s0], [sflag:$0x2], $0x8000, $0x38;
	[tilespmem:$0x10200] =	vst v63  }
0xc1: {  	_ =	swait.ge [sflag:s15], $0x8000  }
0xc2: {  	[sflag:s15] =	ssyncset.done $0x0  }
0xc3: {  	[sflag:s15] =	ssyncadd.s32 $0xFFFF8000  }
0xc4: {  	v3 =	vld [tilespmem:$0x100];
	_ =	sdelay $0x4  }
0xc5: {  	v48 =	vshll.u32 v3, $0x1  }
0xc6: {  	v3 =	vand.u32 $0x7, v3;
	v4 =	vand.u32 $0xFFFFFFF0, v48  }
0xc7: {  	v3 =	vor.u32 v3, v4  }
0xc8: {  	v4 =	vperm.xlane v3, v0;
	_ =	sdelay $0x1  }
0xc9: {  	v3 =	vperm.xlane v3, v2;
	v4 =	vadd.s32 v1, v4;
	_ =	sdelay $0x1  }
0xca: {  	v3 =	vadd.s32 v1, v3;
	_ =	sdelay $0x2  }
0xcb: {  	[tilespmem:s0], [sflag:$0x1] =	stream.indirect_vreg.gather [hbm4b:s4+s2], $0x80, v4, vm0, $0xb8;
	[tilespmem:$0x10200] =	vst v63  }
0xcc: {  	_ = 	snop  }
0xcd: {  	[tilespmem:s16], [sflag:$0x1] =	stream.indirect_vreg.gather [hbm4b:s4+s2], $0x80, v3, vm0, $0xb8;
	[tilespmem:$0x10200] =	vst v63  }
0xce: {  	v3 =	vld [tilespmem:$0x110];
	_ =	sdelay $0x4  }
0xcf: {  	v49 =	vshll.u32 v3, $0x1  }
0xd0: {  	v3 =	vand.u32 $0x7, v3;
	v4 =	vand.u32 $0xFFFFFFF0, v49  }
0xd1: {  	v3 =	vor.u32 v3, v4  }
0xd2: {  	v4 =	vperm.xlane v3, v0;
	_ =	sdelay $0x1  }
0xd3: {  	v3 =	vperm.xlane v3, v2;
	v4 =	vadd.s32 v1, v4;
	_ =	sdelay $0x1  }
0xd4: {  	v3 =	vadd.s32 v1, v3;
	_ =	sdelay $0x2  }
0xd5: {  	[tilespmem:s17], [sflag:$0x1] =	stream.indirect_vreg.gather [hbm4b:s4+s2], $0x80, v4, vm0, $0xb8;
	[tilespmem:$0x10200] =	vst v63  }
0xd6: {  	_ = 	snop  }
0xd7: {  	[tilespmem:s18], [sflag:$0x1] =	stream.indirect_vreg.gather [hbm4b:s4+s2], $0x80, v3, vm0, $0xb8;
	[tilespmem:$0x10200] =	vst v63  }
0xd8: {  	v3 =	vld [tilespmem:$0x120];
	_ =	sdelay $0x4  }
0xd9: {  	v50 =	vshll.u32 v3, $0x1  }
0xda: {  	v3 =	vand.u32 $0x7, v3;
	v4 =	vand.u32 $0xFFFFFFF0, v50  }
0xdb: {  	v3 =	vor.u32 v3, v4  }
0xdc: {  	v4 =	vperm.xlane v3, v0;
	_ =	sdelay $0x1  }
0xdd: {  	v3 =	vperm.xlane v3, v2;
	v4 =	vadd.s32 v1, v4;
	_ =	sdelay $0x1  }
0xde: {  	v3 =	vadd.s32 v1, v3;
	_ =	sdelay $0x2  }
0xdf: {  	[tilespmem:s19], [sflag:$0x1] =	stream.indirect_vreg.gather [hbm4b:s4+s2], $0x80, v4, vm0, $0xb8;
	[tilespmem:$0x10200] =	vst v63  }
0xe0: {  	_ = 	snop  }
0xe1: {  	[tilespmem:s20], [sflag:$0x1] =	stream.indirect_vreg.gather [hbm4b:s4+s2], $0x80, v3, vm0, $0xb8;
	[tilespmem:$0x10200] =	vst v63  }
0xe2: {  	v3 =	vld [tilespmem:$0x130];
	_ =	sdelay $0x4  }
0xe3: {  	v51 =	vshll.u32 v3, $0x1  }
0xe4: {  	v3 =	vand.u32 $0x7, v3;
	v4 =	vand.u32 $0xFFFFFFF0, v51  }
0xe5: {  	v3 =	vor.u32 v3, v4  }
0xe6: {  	v4 =	vperm.xlane v3, v0;
	_ =	sdelay $0x1  }
0xe7: {  	v3 =	vperm.xlane v3, v2;
	v4 =	vadd.s32 v1, v4;
	_ =	sdelay $0x1  }
0xe8: {  	v3 =	vadd.s32 v1, v3;
	_ =	sdelay $0x2  }
0xe9: {  	[tilespmem:s21], [sflag:$0x1] =	stream.indirect_vreg.gather [hbm4b:s4+s2], $0x80, v4, vm0, $0xb8;
	[tilespmem:$0x10200] =	vst v63  }
0xea: {  	_ = 	snop  }
0xeb: {  	[tilespmem:s22], [sflag:$0x1] =	stream.indirect_vreg.gather [hbm4b:s4+s2], $0x80, v3, vm0, $0xb8;
	[tilespmem:$0x10200] =	vst v63  }
0xec: {  	v3 =	vld [tilespmem:$0x140];
	_ =	sdelay $0x4  }
0xed: {  	v52 =	vshll.u32 v3, $0x1  }
0xee: {  	v3 =	vand.u32 $0x7, v3;
	v4 =	vand.u32 $0xFFFFFFF0, v52  }
0xef: {  	v3 =	vor.u32 v3, v4  }
0xf0: {  	v4 =	vperm.xlane v3, v0;
	_ =	sdelay $0x1  }
0xf1: {  	v3 =	vperm.xlane v3, v2;
	v4 =	vadd.s32 v1, v4;
	_ =	sdelay $0x1  }
0xf2: {  	v3 =	vadd.s32 v1, v3;
	_ =	sdelay $0x2  }
0xf3: {  	[tilespmem:s24], [sflag:$0x1] =	stream.indirect_vreg.gather [hbm4b:s4+s2], $0x80, v4, vm0, $0xb8;
	[tilespmem:$0x10200] =	vst v63  }
0xf4: {  	_ = 	snop  }
0xf5: {  	[tilespmem:s25], [sflag:$0x1] =	stream.indirect_vreg.gather [hbm4b:s4+s2], $0x80, v3, vm0, $0xb8;
	[tilespmem:$0x10200] =	vst v63  }
0xf6: {  	v3 =	vld [tilespmem:$0x150];
	_ =	sdelay $0x4  }
0xf7: {  	v53 =	vshll.u32 v3, $0x1  }
0xf8: {  	v3 =	vand.u32 $0x7, v3;
	v4 =	vand.u32 $0xFFFFFFF0, v53  }
0xf9: {  	v3 =	vor.u32 v3, v4  }
0xfa: {  	v4 =	vperm.xlane v3, v0;
	_ =	sdelay $0x1  }
0xfb: {  	v3 =	vperm.xlane v3, v2;
	v4 =	vadd.s32 v1, v4;
	_ =	sdelay $0x1  }
0xfc: {  	v3 =	vadd.s32 v1, v3;
	_ =	sdelay $0x2  }
0xfd: {  	[tilespmem:s26], [sflag:$0x1] =	stream.indirect_vreg.gather [hbm4b:s4+s2], $0x80, v4, vm0, $0xb8;
	[tilespmem:$0x10200] =	vst v63  }
0xfe: {  	_ = 	snop  }
0xff: {  	[tilespmem:s28], [sflag:$0x1] =	stream.indirect_vreg.gather [hbm4b:s4+s2], $0x80, v3, vm0, $0xb8;
	[tilespmem:$0x10200] =	vst v63  }
0x100: {  	v3 =	vld [tilespmem:$0x160];
	_ =	sdelay $0x4  }
0x101: {  	v54 =	vshll.u32 v3, $0x1  }
0x102: {  	v3 =	vand.u32 $0x7, v3;
	v4 =	vand.u32 $0xFFFFFFF0, v54  }
0x103: {  	v3 =	vor.u32 v3, v4  }
0x104: {  	v4 =	vperm.xlane v3, v0;
	_ =	sdelay $0x1  }
0x105: {  	v3 =	vperm.xlane v3, v2;
	v4 =	vadd.s32 v1, v4;
	_ =	sdelay $0x1  }
0x106: {  	v3 =	vadd.s32 v1, v3;
	_ =	sdelay $0x2  }
0x107: {  	[tilespmem:s29], [sflag:$0x1] =	stream.indirect_vreg.gather [hbm4b:s4+s2], $0x80, v4, vm0, $0xb8;
	[tilespmem:$0x10200] =	vst v63  }
0x108: {  	_ = 	snop  }
0x109: {  	[tilespmem:s30], [sflag:$0x1] =	stream.indirect_vreg.gather [hbm4b:s4+s2], $0x80, v3, vm0, $0xb8;
	[tilespmem:$0x10200] =	vst v63  }
0x10a: {  	v3 =	vld [tilespmem:$0x170];
	_ =	sdelay $0x4  }
0x10b: {  	v55 =	vshll.u32 v3, $0x1  }
0x10c: {  	v3 =	vand.u32 $0x7, v3;
	v4 =	vand.u32 $0xFFFFFFF0, v55  }
0x10d: {  	v3 =	vor.u32 v3, v4  }
0x10e: {  	v4 =	vperm.xlane v3, v0;
	_ =	sdelay $0x1  }
0x10f: {  	v3 =	vperm.xlane v3, v2;
	v4 =	vadd.s32 v1, v4;
	_ =	sdelay $0x1  }
0x110: {  	v3 =	vadd.s32 v1, v3;
	_ =	sdelay $0x2  }
0x111: {  	[tilespmem:s31], [sflag:$0x1] =	stream.indirect_vreg.gather [hbm4b:s4+s2], $0x80, v4, vm0, $0xb8;
	[tilespmem:$0x10200] =	vst v63  }
0x112: {  	_ = 	snop  }
0x113: {  	[tilespmem:s3], [sflag:$0x1] =	stream.indirect_vreg.gather [hbm4b:s4+s2], $0x80, v3, vm0, $0xb8;
	[tilespmem:$0x10200] =	vst v63  }
0x114: {  	_ =	swait.ge [sflag:s14], $0x8000  }
0x115: {  	[sflag:s14] =	ssyncset.done $0x0  }
0x116: {  	s0 =	rddreg [dreg:$0x5];
	[sflag:s14] =	ssyncadd.s32 $0xFFFF8000  }
0x117: {  	[hbm4b:s0+s2] =	stream.linear.scatter [tilespmem:s1], [sflag:$0x2], $0x8000, $0x38;
	[tilespmem:$0x10200] =	vst v63  }
0x118: {  	_ =	swait.ge [sflag:s15], $0x8000  }
0x119: {  	[sflag:s15] =	ssyncset.done $0x0  }
0x11a: {  	[sflag:s15] =	ssyncadd.s32 $0xFFFF8000  }
0x11b: {  	v3 =	vld [tilespmem:$0x180];
	_ =	sdelay $0x4  }
0x11c: {  	v56 =	vshll.u32 v3, $0x1  }
0x11d: {  	v3 =	vand.u32 $0x7, v3;
	v4 =	vand.u32 $0xFFFFFFF0, v56  }
0x11e: {  	v3 =	vor.u32 v3, v4  }
0x11f: {  	v4 =	vperm.xlane v3, v0;
	_ =	sdelay $0x1  }
0x120: {  	v3 =	vperm.xlane v3, v2;
	v4 =	vadd.s32 v1, v4;
	_ =	sdelay $0x1  }
0x121: {  	v3 =	vadd.s32 v1, v3;
	_ =	sdelay $0x2  }
0x122: {  	[tilespmem:s1], [sflag:$0x1] =	stream.indirect_vreg.gather [hbm4b:s4+s2], $0x80, v4, vm0, $0xb8;
	[tilespmem:$0x10200] =	vst v63  }
0x123: {  	_ = 	snop  }
0x124: {  	[tilespmem:s23], [sflag:$0x1] =	stream.indirect_vreg.gather [hbm4b:s4+s2], $0x80, v3, vm0, $0xb8;
	[tilespmem:$0x10200] =	vst v63  }
0x125: {  	v3 =	vld [tilespmem:$0x190];
	_ =	sdelay $0x4  }
0x126: {  	v57 =	vshll.u32 v3, $0x1  }
0x127: {  	v3 =	vand.u32 $0x7, v3;
	v4 =	vand.u32 $0xFFFFFFF0, v57  }
0x128: {  	v3 =	vor.u32 v3, v4  }
0x129: {  	v4 =	vperm.xlane v3, v0;
	_ =	sdelay $0x1  }
0x12a: {  	v3 =	vperm.xlane v3, v2;
	v4 =	vadd.s32 v1, v4;
	_ =	sdelay $0x1  }
0x12b: {  	v3 =	vadd.s32 v1, v3;
	_ =	sdelay $0x2  }
0x12c: {  	[tilespmem:s8], [sflag:$0x1] =	stream.indirect_vreg.gather [hbm4b:s4+s2], $0x80, v4, vm0, $0xb8;
	[tilespmem:$0x10200] =	vst v63  }
0x12d: {  	_ = 	snop  }
0x12e: {  	[tilespmem:s9], [sflag:$0x1] =	stream.indirect_vreg.gather [hbm4b:s4+s2], $0x80, v3, vm0, $0xb8;
	[tilespmem:$0x10200] =	vst v63  }
0x12f: {  	v3 =	vld [tilespmem:$0x1A0];
	_ =	sdelay $0x4  }
0x130: {  	v58 =	vshll.u32 v3, $0x1  }
0x131: {  	v3 =	vand.u32 $0x7, v3;
	v4 =	vand.u32 $0xFFFFFFF0, v58  }
0x132: {  	v3 =	vor.u32 v3, v4  }
0x133: {  	v4 =	vperm.xlane v3, v0;
	_ =	sdelay $0x1  }
0x134: {  	v3 =	vperm.xlane v3, v2;
	v4 =	vadd.s32 v1, v4;
	_ =	sdelay $0x1  }
0x135: {  	v3 =	vadd.s32 v1, v3;
	_ =	sdelay $0x2  }
0x136: {  	[tilespmem:s10], [sflag:$0x1] =	stream.indirect_vreg.gather [hbm4b:s4+s2], $0x80, v4, vm0, $0xb8;
	[tilespmem:$0x10200] =	vst v63  }
0x137: {  	s16 =	simm.s32 $0xAA00  }
0x138: {  	[tilespmem:s16], [sflag:$0x1] =	stream.indirect_vreg.gather [hbm4b:s4+s2], $0x80, v3, vm0, $0xb8;
	[tilespmem:$0x10200] =	vst v63  }
0x139: {  	v3 =	vld [tilespmem:$0x1B0];
	_ =	sdelay $0x4  }
0x13a: {  	v59 =	vshll.u32 v3, $0x1  }
0x13b: {  	v3 =	vand.u32 $0x7, v3;
	v4 =	vand.u32 $0xFFFFFFF0, v59  }
0x13c: {  	v3 =	vor.u32 v3, v4  }
0x13d: {  	v4 =	vperm.xlane v3, v0;
	_ =	sdelay $0x1  }
0x13e: {  	v3 =	vperm.xlane v3, v2;
	v4 =	vadd.s32 v1, v4;
	_ =	sdelay $0x1  }
0x13f: {  	v3 =	vadd.s32 v1, v3;
	_ =	sdelay $0x2  }
0x140: {  	[tilespmem:s12], [sflag:$0x1] =	stream.indirect_vreg.gather [hbm4b:s4+s2], $0x80, v4, vm0, $0xb8;
	[tilespmem:$0x10200] =	vst v63  }
0x141: {  	_ = 	snop  }
0x142: {  	[tilespmem:s13], [sflag:$0x1] =	stream.indirect_vreg.gather [hbm4b:s4+s2], $0x80, v3, vm0, $0xb8;
	[tilespmem:$0x10200] =	vst v63  }
0x143: {  	v3 =	vld [tilespmem:$0x1C0];
	_ =	sdelay $0x4  }
0x144: {  	v60 =	vshll.u32 v3, $0x1  }
0x145: {  	v3 =	vand.u32 $0x7, v3;
	v4 =	vand.u32 $0xFFFFFFF0, v60  }
0x146: {  	v3 =	vor.u32 v3, v4  }
0x147: {  	v4 =	vperm.xlane v3, v0;
	_ =	sdelay $0x1  }
0x148: {  	v3 =	vperm.xlane v3, v2;
	v4 =	vadd.s32 v1, v4;
	_ =	sdelay $0x1  }
0x149: {  	v3 =	vadd.s32 v1, v3;
	_ =	sdelay $0x2  }
0x14a: {  	[tilespmem:s6], [sflag:$0x1] =	stream.indirect_vreg.gather [hbm4b:s4+s2], $0x80, v4, vm0, $0xb8;
	[tilespmem:$0x10200] =	vst v63  }
0x14b: {  	_ = 	snop  }
0x14c: {  	[tilespmem:s7], [sflag:$0x1] =	stream.indirect_vreg.gather [hbm4b:s4+s2], $0x80, v3, vm0, $0xb8;
	[tilespmem:$0x10200] =	vst v63  }
0x14d: {  	v3 =	vld [tilespmem:$0x1D0];
	_ =	sdelay $0x4  }
0x14e: {  	v61 =	vshll.u32 v3, $0x1  }
0x14f: {  	v3 =	vand.u32 $0x7, v3;
	v4 =	vand.u32 $0xFFFFFFF0, v61  }
0x150: {  	v3 =	vor.u32 v3, v4  }
0x151: {  	v4 =	vperm.xlane v3, v0;
	_ =	sdelay $0x1  }
0x152: {  	v3 =	vperm.xlane v3, v2;
	v4 =	vadd.s32 v1, v4;
	_ =	sdelay $0x1  }
0x153: {  	v3 =	vadd.s32 v1, v3;
	_ =	sdelay $0x1  }
0x154: {  	s16 =	simm.s32 $0xD200  }
0x155: {  	[tilespmem:s16], [sflag:$0x1] =	stream.indirect_vreg.gather [hbm4b:s4+s2], $0x80, v4, vm0, $0xb8;
	[tilespmem:$0x10200] =	vst v63  }
0x156: {  	s16 =	simm.s32 $0xDA00  }
0x157: {  	[tilespmem:s16], [sflag:$0x1] =	stream.indirect_vreg.gather [hbm4b:s4+s2], $0x80, v3, vm0, $0xb8;
	[tilespmem:$0x10200] =	vst v63  }
0x158: {  	v3 =	vld [tilespmem:$0x1E0];
	_ =	sdelay $0x4  }
0x159: {  	v62 =	vshll.u32 v3, $0x1  }
0x15a: {  	v3 =	vand.u32 $0x7, v3;
	v4 =	vand.u32 $0xFFFFFFF0, v62  }
0x15b: {  	v3 =	vor.u32 v3, v4  }
0x15c: {  	v4 =	vperm.xlane v3, v0;
	_ =	sdelay $0x1  }
0x15d: {  	v3 =	vperm.xlane v3, v2;
	v4 =	vadd.s32 v1, v4;
	_ =	sdelay $0x1  }
0x15e: {  	v3 =	vadd.s32 v1, v3;
	_ =	sdelay $0x1  }
0x15f: {  	s16 =	simm.s32 $0xE200  }
0x160: {  	[tilespmem:s16], [sflag:$0x1] =	stream.indirect_vreg.gather [hbm4b:s4+s2], $0x80, v4, vm0, $0xb8;
	[tilespmem:$0x10200] =	vst v63  }
0x161: {  	s16 =	simm.s32 $0xEA00  }
0x162: {  	[tilespmem:s16], [sflag:$0x1] =	stream.indirect_vreg.gather [hbm4b:s4+s2], $0x80, v3, vm0, $0xb8;
	[tilespmem:$0x10200] =	vst v63  }
0x163: {  	v3 =	vld [tilespmem:$0x1F0];
	_ =	sdelay $0x4  }
0x164: {  	v63 =	vshll.u32 v3, $0x1  }
0x165: {  	v3 =	vand.u32 $0x7, v3;
	v4 =	vand.u32 $0xFFFFFFF0, v63  }
0x166: {  	v3 =	vor.u32 v3, v4  }
0x167: {  	v4 =	vperm.xlane v3, v0;
	_ =	sdelay $0x1  }
0x168: {  	v3 =	vperm.xlane v3, v2;
	v4 =	vadd.s32 v1, v4;
	_ =	sdelay $0x1  }
0x169: {  	v3 =	vadd.s32 v1, v3;
	_ =	sdelay $0x1  }
0x16a: {  	s16 =	simm.s32 $0xF200  }
0x16b: {  	[tilespmem:s16], [sflag:$0x1] =	stream.indirect_vreg.gather [hbm4b:s4+s2], $0x80, v4, vm0, $0xb8;
	[tilespmem:$0x10200] =	vst v63  }
0x16c: {  	s16 =	simm.s32 $0xFA00  }
0x16d: {  	[tilespmem:s16], [sflag:$0x1] =	stream.indirect_vreg.gather [hbm4b:s4+s2], $0x80, v3, vm0, $0xb8;
	[tilespmem:$0x10200] =	vst v63  }
0x16e: {  	_ =	swait.ge [sflag:s14], $0x8000  }
0x16f: {  	[sflag:s14] =	ssyncset.done $0x0  }
0x170: {  	s11 =	simm.s32 $0x200;
	s0 =	rddreg [dreg:$0x6];
	[sflag:s14] =	ssyncadd.s32 $0xFFFF8000  }
0x171: {  	[hbm4b:s0+s2] =	stream.linear.scatter [tilespmem:s11], [sflag:$0x2], $0x8000, $0x38;
	[tilespmem:$0x10200] =	vst v63  }
0x172: {  	_ =	swait.ge [sflag:s14], $0x8000  }
0x173: {  	[sflag:s14] =	ssyncset.done $0x0  }
0x174: {  	s11 =	rddreg [dreg:$0x7];
	[sflag:s14] =	ssyncadd.s32 $0xFFFF8000  }
0x175: {  	[hbm4b:s11+s2] =	stream.linear.scatter [tilespmem:s1], [sflag:$0x2], $0x8000, $0x38;
	[tilespmem:$0x10200] =	vst v63  }
0x176: {  	p0 =	sne.s32 s5, $0x1;
	_ =	swait.ge [sflag:s15], $0x8000  }
.Ltmp0:
0x177: {  	[sflag:s15] =	ssyncset.done $0x0;
	(pc) =	sbr.rel @p0 .LBB2_1-.Ltmp0, $4  }
0x178: {  	[sflag:s15] =	ssyncadd.s32 $0xFFFF8000  }
0x179: {  	_ =	swait.ge [sflag:s15], $0x8000  }
0x17a: {  	[sflag:s15] =	ssyncset.done $0x0  }
0x17b: {  	s5 =	sadd.s32 $0xFFFFFFFF, s5;
	[sflag:s15] =	ssyncadd.s32 $0xFFFF8000  }
0x17c: {  	_ =	sfence.sel $0x180000  }
0x17d: {  	[bflag:$0x0] =	sbarrier.arrive $0xFFFF  }
0x17e: {  	_ =	strace $0x90000047  }
0x17f: {  	s0 =	stileid.u32;
	[bflag:$0x2] =	sbarrier.arrive $0xFFFF  }
0x180: {  	p0 =	sne.s32 s0, $0x0;
	s0 =	rddreg [dreg:$0x3]  }
0x181: {  	s0 =	sadd.s32 @!p0 $0x100000, s0  }
0x182: {  	[sflag:s0] =	ssyncadd.tile.s32 @!p0 $0x1;
	_ =	shalt  }
.Lfunc_end2:
_tile_overlayer_lowered:
.L_overlay_start_2:
0x183: {  	(tag) =	ssettag $0x2  }
0x184: {  	s0 =	rddreg [dreg:$0x0];
	s2 =	stileid.u32  }
0x185: {  	s1 =	rddreg [dreg:$0x1];
	p0 =	sne.s32 s2, $0x0  }
0x186: {  	s3 =	rddreg [dreg:$0x2];
	[bflag:$0x3] =	sbarrier.arrive $0xFFFF;
	s2 =	simm.s32 @!p0 $0x1C03  }
0x187: {  	[timem:s3], [sflag:s2] =	dma.local @!p0 [hbm:s0], s1  }
0x188: {  	s0 =	simm.s32 @!p0 $0x3  }
0x189: {  	_ =	swait.ge @!p0 [sflag:s0], s1  }
0x18a: {  	s1 =	ssub.s32 @!p0 $0x0, s1;
	[sflag:s0] =	ssyncset.done @!p0 $0x0  }
0x18b: {  	[sflag:s0] =	ssyncadd.s32 @!p0 s1  }
0x18c: {  	[bflag:$0x3] =	sbarrier.arrive $0xFFFF  }
0x18d: {  	_ =	shalt  }

</sc_bundles>
